<compile_context>
chip_gen: v7x
topology: tpu7x:2x2x1
jax: 0.10.2.dev20260603
libtpu: 0.0.44.dev20260713+nightly
codegen_flags: <defaults>
</compile_context>

<pallas_src>
import functools

import jax
import jax.numpy as jnp
from jax import lax
from jax.experimental import pallas as pl
from jax.experimental.pallas import tpu as pltpu
from jax.experimental.pallas import tpu_sc as plsc



def _argmin_body(x_ref, c_ref, w_ref, b_ref, out_ref, cproj_ref, csq_ref,
                 *, tm, tk, nk, tp):
    i = pl.program_id(0)
    nj = nk // tk
    nc = tk // 128
    npj = nk // tp

    @pl.when(i == 0)
    def _():
        for j in range(nj):
            cj = c_ref[pl.ds(j * tk, tk), :]
            csq_ref[:, pl.ds(j * tk, tk)] = jnp.sum(cj * cj, axis=1)[None, :]

    @pl.when(i < npj)
    def _():
        base = jnp.minimum(i, npj - 1) * tp
        cp = c_ref[pl.ds(base, tp), :]
        cproj_ref[...] = lax.dot_general(
            cp, w_ref[...], (((1,), (1,)), ((), ())),
            preferred_element_type=jnp.float32) + b_ref[...]

    x = x_ref[...]
    x_sq = jnp.sum(x * x, axis=1, keepdims=True)

    v = jnp.full((tm, 128), jnp.inf, jnp.float32)
    a = jnp.zeros((tm, 128), jnp.int32)
    for j in range(nj):
        c = c_ref[pl.ds(j * tk, tk), :]
        c_sq = csq_ref[:, pl.ds(j * tk, tk)]
        cross = lax.dot_general(x, c, (((1,), (1,)), ((), ())),
                                preferred_element_type=jnp.float32)
        d2 = (x_sq + c_sq) - 2.0 * cross
        for ch in range(nc):
            blk = d2[:, ch * 128:(ch + 1) * 128]
            upd = blk < v
            v = jnp.where(upd, blk, v)
            a = jnp.where(upd, jnp.int32(j * nc + ch), a)

    m = jnp.min(v, axis=1, keepdims=True)
    s = jnp.sqrt(m)
    mb = lax.bitcast_convert_type(m, jnp.int32)
    hi = m
    for u in range(1, 6):
        t = lax.bitcast_convert_type(mb + u, jnp.float32)
        hi = jnp.where(jnp.sqrt(t) == s, t, hi)

    lane = lax.broadcasted_iota(jnp.int32, (tm, 128), 1)
    g = a * 128 + lane
    arg = jnp.min(jnp.where(v <= hi, g, jnp.int32(1 << 30)),
                  axis=1, keepdims=True)
    out_ref[...] = arg


def _nearest_cluster_and_proj(xf, centers, w, bias, *, tm, tk):
    m, d = xf.shape
    k = centers.shape[0]
    ni = m // tm
    npj = 1
    while npj * 2 <= ni and npj * 2 <= k:
        npj *= 2
    tp = k // npj
    sel, cproj = pl.pallas_call(
        functools.partial(_argmin_body, tm=tm, tk=tk, nk=k, tp=tp),
        grid=(ni,),
        in_specs=[
            pl.BlockSpec((tm, d), lambda i: (i, 0)),
            pl.BlockSpec((k, d), lambda i: (0, 0)),
            pl.BlockSpec((d, d), lambda i: (0, 0)),
            pl.BlockSpec((1, d), lambda i: (0, 0)),
        ],
        out_specs=[
            pl.BlockSpec((tm, 1), lambda i: (i, 0)),
            pl.BlockSpec((tp, d), lambda i: (jnp.minimum(i, k // tp - 1), 0)),
        ],
        out_shape=[
            jax.ShapeDtypeStruct((m, 1), jnp.int32),
            jax.ShapeDtypeStruct((k, d), jnp.float32),
        ],
        scratch_shapes=[pltpu.VMEM((1, k), jnp.float32)],
    )(xf, centers, w, bias.reshape(1, d))
    return sel.reshape(m), cproj



def _make_sc_gather(v, d, b):
    info = plsc.get_sparse_core_info()
    nw = info.num_cores * info.num_subcores
    assert b % (8 * nw) == 0
    b_per_w = b // nw
    mesh = plsc.VectorSubcoreMesh(core_axis_name="c", subcore_axis_name="s")

    @functools.partial(
        pl.kernel, mesh=mesh,
        out_type=jax.ShapeDtypeStruct((b, d), jnp.float32),
        scratch_types=[
            pltpu.VMEM((b_per_w,), jnp.int32),
            pltpu.VMEM((b_per_w, d), jnp.float32),
            pltpu.SemaphoreType.DMA,
        ],
    )
    def gather(table_hbm, idx_hbm, out_hbm, idx_v, rows_v, sem):
        wid = lax.axis_index("s") * info.num_cores + lax.axis_index("c")
        base = wid * b_per_w
        pltpu.sync_copy(idx_hbm.at[pl.ds(base, b_per_w)], idx_v)
        pltpu.async_copy(table_hbm.at[idx_v], rows_v, sem).wait()
        pltpu.sync_copy(rows_v, out_hbm.at[pl.ds(base, b_per_w)])

    return gather



def kernel(x, cluster_centers, W, b):
    bb, s, d = x.shape
    m = bb * s
    xf = x.reshape(m, d)
    selected, cproj = _nearest_cluster_and_proj(
        xf, cluster_centers, W, b, tm=256, tk=2048)
    out = _make_sc_gather(cluster_centers.shape[0], d, m)(cproj, selected)
    return out.reshape(bb, s, W.shape[0])

# --- scband reference (transcript-rebuilt; emitter-appended) ---
"""Pipeline reference for scband-similar-cluster-encoder-1116691497734 (READ-ONLY COPY).

The authoritative reference and input builder live on the scoring server;
editing this copy changes nothing except your own understanding.
"""

import jax, jax.numpy as jnp
import numpy as np


def setup_inputs(seed: int = 0) -> dict:
    key = jax.random.key(seed)
    k1, k2, k3, k4 = jax.random.split(key, 4)
    x = jax.random.normal(k1, (8, 576, 256), dtype=jnp.float32)
    # nn.Parameter(torch.rand(n_clusters, input_size)) -> uniform [0,1)
    cluster_centers = jax.random.uniform(k2, (8192, 256), dtype=jnp.float32)
    # nn.Linear(input_size=256, output_size=256)
    bound = 1.0 / np.sqrt(256)
    W = jax.random.uniform(k3, (256, 256), dtype=jnp.float32, minval=-bound, maxval=bound)
    b = jax.random.uniform(k4, (256,), dtype=jnp.float32, minval=-bound, maxval=bound)
    return {"x": x, "cluster_centers": cluster_centers, "W": W, "b": b}


def reference(x, cluster_centers, W, b):
    # torch.cdist(x, centers): euclidean distances [B, S, K]
    x_sq = jnp.sum(x * x, axis=-1)  # [B, S]
    c_sq = jnp.sum(cluster_centers * cluster_centers, axis=-1)  # [K]
    cross = jnp.einsum('bsd,kd->bsk', x, cluster_centers)  # [B, S, K]
    d2 = x_sq[:, :, None] + c_sq[None, None, :] - 2.0 * cross
    distances = jnp.sqrt(jnp.maximum(d2, 0.0))
    # argmin over clusters
    selected = jnp.argmin(distances, axis=2)  # [B, S] int
    # gather cluster centers (codebook lookup)
    q = jnp.take(cluster_centers, selected, axis=0)  # [B, S, D]
    # linear projection: x @ W.T + b
    out = jnp.einsum('bsd,od->bso', q, W) + b
    return out

if __name__ == "__main__":
    import jax
    _d = setup_inputs()
    print(jax.jit(kernel)(*tuple(_d.values())))

</pallas_src>

<mosaic_0001>
#map = affine_map<(d0, d1) -> (0, 0)>
#map1 = affine_map<(d0, d1) -> (0)>
module attributes {stable_mosaic.version = 14 : i64} {
  func.func @gather(%arg0: i32, %arg1: i32, %arg2: memref<8192x256xf32, #tpu.memory_space<hbm>>, %arg3: memref<4608xi32, #tpu.memory_space<hbm>>, %arg4: memref<4608x256xf32, #tpu.memory_space<hbm>>, %arg5: memref<144xi32, #tpu.memory_space<vmem>>, %arg6: memref<144x256xf32, #tpu.memory_space<vmem>>, %arg7: memref<!tpu.dma_semaphore, #tpu.memory_space<semaphore_mem>>) attributes {dimension_semantics = [#tpu.dimension_semantics<core_parallel>, #tpu.dimension_semantics<subcore_parallel>], iteration_bounds = array<i64: 2, 16>, scalar_prefetch = 0 : i64, scratch_operands = 3 : i64, tpu.core_type = #tpu.core_type<sc_vector_subcore>, window_params = [{transform_indices = #map}, {transform_indices = #map1}, {transform_indices = #map}]} {
    %mul3A = arith.constant 2 : i32
    %mul3A_0 = arith.muli %arg1, %mul3A : i32
    %add3A = arith.addi %mul3A_0, %arg0 : i32
    %mul3A_1 = arith.constant 144 : i32
    %mul3A_2 = arith.muli %add3A, %mul3A_1 : i32
    "tpu.region"() ({
      %run_scoped3A = tpu.sem_alloc : memref<!tpu.dma_semaphore, #tpu.memory_space<semaphore_mem>>
      %dma_start3A_7 = tpu.memref_slice %arg3[%mul3A_2] : memref<4608xi32, #tpu.memory_space<hbm>> -> memref<144xi32, #tpu.memory_space<hbm>>
      %dma_start3A_8 = tpu.memref_slice %arg3[%mul3A_2] : memref<4608xi32, #tpu.memory_space<hbm>> -> memref<144xi32, #tpu.memory_space<hbm>>
      tpu.enqueue_dma source(%dma_start3A_8 : memref<144xi32, #tpu.memory_space<hbm>>) target(%arg5 : memref<144xi32, #tpu.memory_space<vmem>>) target_semaphore(%run_scoped3A : memref<!tpu.dma_semaphore, #tpu.memory_space<semaphore_mem>>)
      %dma_wait3A_9 = tpu.memref_slice %arg3[%mul3A_2] : memref<4608xi32, #tpu.memory_space<hbm>> -> memref<144xi32, #tpu.memory_space<hbm>>
      %dma_wait3A_10 = tpu.memref_slice %arg3[%mul3A_2] : memref<4608xi32, #tpu.memory_space<hbm>> -> memref<144xi32, #tpu.memory_space<hbm>>
      tpu.wait_dma2 semaphore(%run_scoped3A : memref<!tpu.dma_semaphore, #tpu.memory_space<semaphore_mem>>) src(%dma_wait3A_10 : memref<144xi32, #tpu.memory_space<hbm>>) dst(%arg5 : memref<144xi32, #tpu.memory_space<vmem>>)
      tpu.yield
    }) : () -> ()
    %dma_start3A = arith.constant 0 : i32
    %dma_start3A_3 = arith.constant 0 : i32
    %dma_start3A_4 = tpu.memref_slice %arg2[%dma_start3A, %dma_start3A_3] : memref<8192x256xf32, #tpu.memory_space<hbm>> -> memref<8192x256xf32, #tpu.memory_space<hbm>>
    tpu.enqueue_indirect_dma source(%dma_start3A_4 : memref<8192x256xf32, #tpu.memory_space<hbm>>) target(%arg6 : memref<144x256xf32, #tpu.memory_space<vmem>>) offsets(%arg5 : memref<144xi32, #tpu.memory_space<vmem>>) semaphore(%arg7 : memref<!tpu.dma_semaphore, #tpu.memory_space<semaphore_mem>>)
    %dma_wait3A = arith.constant 0 : i32
    %dma_wait3A_5 = arith.constant 0 : i32
    %dma_wait3A_6 = tpu.memref_slice %arg2[%dma_wait3A, %dma_wait3A_5] : memref<8192x256xf32, #tpu.memory_space<hbm>> -> memref<8192x256xf32, #tpu.memory_space<hbm>>
    tpu.wait_indirect_dma semaphore(%arg7 : memref<!tpu.dma_semaphore, #tpu.memory_space<semaphore_mem>>) src(%dma_wait3A_6 : memref<8192x256xf32, #tpu.memory_space<hbm>>) dst(%arg6 : memref<144x256xf32, #tpu.memory_space<vmem>>)
    "tpu.region"() ({
      %run_scoped3A = tpu.sem_alloc : memref<!tpu.dma_semaphore, #tpu.memory_space<semaphore_mem>>
      %dma_start3A_7 = arith.constant 0 : i32
      %dma_start3A_8 = tpu.memref_slice %arg4[%mul3A_2, %dma_start3A_7] : memref<4608x256xf32, #tpu.memory_space<hbm>> -> memref<144x256xf32, #tpu.memory_space<hbm>>
      %dma_start3A_9 = arith.constant 0 : i32
      %dma_start3A_10 = tpu.memref_slice %arg4[%mul3A_2, %dma_start3A_9] : memref<4608x256xf32, #tpu.memory_space<hbm>> -> memref<144x256xf32, #tpu.memory_space<hbm>>
      tpu.enqueue_dma source(%arg6 : memref<144x256xf32, #tpu.memory_space<vmem>>) target(%dma_start3A_10 : memref<144x256xf32, #tpu.memory_space<hbm>>) target_semaphore(%run_scoped3A : memref<!tpu.dma_semaphore, #tpu.memory_space<semaphore_mem>>)
      %dma_wait3A_11 = arith.constant 0 : i32
      %dma_wait3A_12 = tpu.memref_slice %arg4[%mul3A_2, %dma_wait3A_11] : memref<4608x256xf32, #tpu.memory_space<hbm>> -> memref<144x256xf32, #tpu.memory_space<hbm>>
      %dma_wait3A_13 = arith.constant 0 : i32
      %dma_wait3A_14 = tpu.memref_slice %arg4[%mul3A_2, %dma_wait3A_13] : memref<4608x256xf32, #tpu.memory_space<hbm>> -> memref<144x256xf32, #tpu.memory_space<hbm>>
      tpu.wait_dma2 semaphore(%run_scoped3A : memref<!tpu.dma_semaphore, #tpu.memory_space<semaphore_mem>>) src(%arg6 : memref<144x256xf32, #tpu.memory_space<vmem>>) dst(%dma_wait3A_14 : memref<144x256xf32, #tpu.memory_space<hbm>>)
      tpu.yield
    }) : () -> ()
    return
  }
}

module attributes {stable_mosaic.version = 14 : i64} {
  func.func @_argmin_body(%arg0: i32, %arg1: memref<256x256xf32, #tpu.memory_space<vmem>>, %arg2: memref<8192x256xf32, #tpu.memory_space<vmem>>, %arg3: memref<256x256xf32, #tpu.memory_space<vmem>>, %arg4: memref<1x256xf32, #tpu.memory_space<vmem>>, %arg5: memref<256x1xi32, #tpu.memory_space<vmem>>, %arg6: memref<512x256xf32, #tpu.memory_space<vmem>>, %arg7: memref<1x8192xf32, #tpu.memory_space<vmem>>) attributes {dimension_semantics = [#tpu.dimension_semantics<arbitrary>], iteration_bounds = array<i64: 18>, scalar_prefetch = 0 : i64, scratch_operands = 1 : i64, tpu.core_type = #tpu.core_type<tc>, window_params = [{transform_indices = @transform_0, window_bounds = array<i64: 256, 256>}, {pipeline_mode = #tpu.pipeline_mode<synchronous>, transform_indices = @transform_1, window_bounds = array<i64: 8192, 256>}, {pipeline_mode = #tpu.pipeline_mode<synchronous>, transform_indices = @transform_2, window_bounds = array<i64: 256, 256>}, {pipeline_mode = #tpu.pipeline_mode<synchronous>, transform_indices = @transform_3, window_bounds = array<i64: 1, 256>}, {transform_indices = @transform_4, window_bounds = array<i64: 256, 1>}, {transform_indices = @transform_5, window_bounds = array<i64: 512, 256>}]} {
    %eq3A = arith.constant 0 : i32
    %eq3A_0 = arith.cmpi eq, %arg0, %eq3A : i32
    %convert_element_type3A = arith.extui %eq3A_0 : i1 to i32
    %cond3A = arith.constant 0 : i32
    %cond3A_1 = arith.cmpi ne, %convert_element_type3A, %cond3A : i32
    scf.if %cond3A_1 {
      %get3A_501 = arith.constant 0 : index
      %get3A_502 = arith.constant 0 : index
      %get3A_503 = vector.load %arg2[%get3A_501, %get3A_502] : memref<8192x256xf32, #tpu.memory_space<vmem>>, vector<2048x256xf32>
      %mul3A_504 = arith.mulf %get3A_503, %get3A_503 : vector<2048x256xf32>
      %reduce_sum3A_505 = arith.constant dense<0.000000e+00> : vector<2048xf32>
      %reduce_sum3A_506 = vector.multi_reduction <add>, %mul3A_504, %reduce_sum3A_505 [1] : vector<2048x256xf32> to vector<2048xf32>
      %broadcast_in_dim3A_507 = vector.shape_cast %reduce_sum3A_506 : vector<2048xf32> to vector<1x2048xf32>
      %swap3A_508 = arith.constant 0 : index
      %swap3A_509 = arith.constant 0 : index
      %swap3A_510 = vector.load %arg7[%swap3A_508, %swap3A_509] : memref<1x8192xf32, #tpu.memory_space<vmem>>, vector<1x2048xf32>
      tpu.vector_store %arg7[%swap3A_508, %swap3A_509], %broadcast_in_dim3A_507 {strides = array<i32>} : memref<1x8192xf32, #tpu.memory_space<vmem>>, vector<1x2048xf32>,
      %get3A_511 = arith.constant 2048 : index
      %get3A_512 = arith.constant 0 : index
      %get3A_513 = vector.load %arg2[%get3A_511, %get3A_512] : memref<8192x256xf32, #tpu.memory_space<vmem>>, vector<2048x256xf32>
      %mul3A_514 = arith.mulf %get3A_513, %get3A_513 : vector<2048x256xf32>
      %reduce_sum3A_515 = arith.constant dense<0.000000e+00> : vector<2048xf32>
      %reduce_sum3A_516 = vector.multi_reduction <add>, %mul3A_514, %reduce_sum3A_515 [1] : vector<2048x256xf32> to vector<2048xf32>
      %broadcast_in_dim3A_517 = vector.shape_cast %reduce_sum3A_516 : vector<2048xf32> to vector<1x2048xf32>
      %swap3A_518 = arith.constant 0 : index
      %swap3A_519 = arith.constant 2048 : index
      %swap3A_520 = vector.load %arg7[%swap3A_518, %swap3A_519] : memref<1x8192xf32, #tpu.memory_space<vmem>>, vector<1x2048xf32>
      tpu.vector_store %arg7[%swap3A_518, %swap3A_519], %broadcast_in_dim3A_517 {strides = array<i32>} : memref<1x8192xf32, #tpu.memory_space<vmem>>, vector<1x2048xf32>,
      %get3A_521 = arith.constant 4096 : index
      %get3A_522 = arith.constant 0 : index
      %get3A_523 = vector.load %arg2[%get3A_521, %get3A_522] : memref<8192x256xf32, #tpu.memory_space<vmem>>, vector<2048x256xf32>
      %mul3A_524 = arith.mulf %get3A_523, %get3A_523 : vector<2048x256xf32>
      %reduce_sum3A_525 = arith.constant dense<0.000000e+00> : vector<2048xf32>
      %reduce_sum3A_526 = vector.multi_reduction <add>, %mul3A_524, %reduce_sum3A_525 [1] : vector<2048x256xf32> to vector<2048xf32>
      %broadcast_in_dim3A_527 = vector.shape_cast %reduce_sum3A_526 : vector<2048xf32> to vector<1x2048xf32>
      %swap3A_528 = arith.constant 0 : index
      %swap3A_529 = arith.constant 4096 : index
      %swap3A_530 = vector.load %arg7[%swap3A_528, %swap3A_529] : memref<1x8192xf32, #tpu.memory_space<vmem>>, vector<1x2048xf32>
      tpu.vector_store %arg7[%swap3A_528, %swap3A_529], %broadcast_in_dim3A_527 {strides = array<i32>} : memref<1x8192xf32, #tpu.memory_space<vmem>>, vector<1x2048xf32>,
      %get3A_531 = arith.constant 6144 : index
      %get3A_532 = arith.constant 0 : index
      %get3A_533 = vector.load %arg2[%get3A_531, %get3A_532] : memref<8192x256xf32, #tpu.memory_space<vmem>>, vector<2048x256xf32>
      %mul3A_534 = arith.mulf %get3A_533, %get3A_533 : vector<2048x256xf32>
      %reduce_sum3A_535 = arith.constant dense<0.000000e+00> : vector<2048xf32>
      %reduce_sum3A_536 = vector.multi_reduction <add>, %mul3A_534, %reduce_sum3A_535 [1] : vector<2048x256xf32> to vector<2048xf32>
      %broadcast_in_dim3A_537 = vector.shape_cast %reduce_sum3A_536 : vector<2048xf32> to vector<1x2048xf32>
      %swap3A_538 = arith.constant 0 : index
      %swap3A_539 = arith.constant 6144 : index
      %swap3A_540 = vector.load %arg7[%swap3A_538, %swap3A_539] : memref<1x8192xf32, #tpu.memory_space<vmem>>, vector<1x2048xf32>
      tpu.vector_store %arg7[%swap3A_538, %swap3A_539], %broadcast_in_dim3A_537 {strides = array<i32>} : memref<1x8192xf32, #tpu.memory_space<vmem>>, vector<1x2048xf32>,
    } else {
    }
    %lt3A = arith.constant 16 : i32
    %lt3A_2 = arith.cmpi slt, %arg0, %lt3A : i32
    %convert_element_type3A_3 = arith.extui %lt3A_2 : i1 to i32
    %cond3A_4 = arith.constant 0 : i32
    %cond3A_5 = arith.cmpi ne, %convert_element_type3A_3, %cond3A_4 : i32
    scf.if %cond3A_5 {
      %min3A = arith.constant 15 : i32
      %min3A_501 = arith.minsi %arg0, %min3A : i32
      %mul3A_502 = arith.constant 512 : i32
      %mul3A_503 = arith.muli %min3A_501, %mul3A_502 : i32
      %get3A_504 = arith.index_cast %mul3A_503 : i32 to index
      %get3A_505 = arith.constant 0 : index
      %get3A_506 = vector.load %arg2[%get3A_504, %get3A_505] : memref<8192x256xf32, #tpu.memory_space<vmem>>, vector<512x256xf32>
      %get3A_507 = arith.constant 0 : index
      %get3A_508 = arith.constant 0 : index
      %get3A_509 = vector.load %arg3[%get3A_507, %get3A_508] : memref<256x256xf32, #tpu.memory_space<vmem>>, vector<256x256xf32>
      %dot_general3A_510 = arith.constant dense<0.000000e+00> : vector<512x256xf32>
      %dot_general3A_511 = tpu.matmul %get3A_506, %get3A_509, %dot_general3A_510 {dimension_numbers = #tpu.dot_dimension_numbers<[1], [1], [0], [0], [0, 0, 1, 0], [], []>, transpose_lhs_hint = false} : vector<512x256xf32>, vector<256x256xf32>, vector<512x256xf32> -> vector<512x256xf32>
      %get3A_512 = arith.constant 0 : index
      %get3A_513 = arith.constant 0 : index
      %get3A_514 = vector.load %arg4[%get3A_512, %get3A_513] : memref<1x256xf32, #tpu.memory_space<vmem>>, vector<1x256xf32>
      %add3A_515 = vector.broadcast %get3A_514 : vector<1x256xf32> to vector<512x256xf32>
      %add3A_516 = arith.addf %dot_general3A_511, %add3A_515 : vector<512x256xf32>
      %swap3A_517 = arith.constant 0 : index
      %swap3A_518 = arith.constant 0 : index
      %swap3A_519 = vector.load %arg6[%swap3A_517, %swap3A_518] : memref<512x256xf32, #tpu.memory_space<vmem>>, vector<512x256xf32>
      tpu.vector_store %arg6[%swap3A_517, %swap3A_518], %add3A_516 {strides = array<i32>} : memref<512x256xf32, #tpu.memory_space<vmem>>, vector<512x256xf32>,
    } else {
    }
    %get3A = arith.constant 0 : index
    %get3A_6 = arith.constant 0 : index
    %get3A_7 = vector.load %arg1[%get3A, %get3A_6] : memref<256x256xf32, #tpu.memory_space<vmem>>, vector<256x256xf32>
    %mul3A = arith.mulf %get3A_7, %get3A_7 : vector<256x256xf32>
    %reduce_sum3A = arith.constant dense<0.000000e+00> : vector<256xf32>
    %reduce_sum3A_8 = vector.multi_reduction <add>, %mul3A, %reduce_sum3A [1] : vector<256x256xf32> to vector<256xf32>
    %broadcast_in_dim3A = vector.shape_cast %reduce_sum3A_8 : vector<256xf32> to vector<256x1xf32>
    %broadcast_in_dim3A_9 = arith.constant 0x7F800000 : f32
    %broadcast_in_dim3A_10 = vector.broadcast %broadcast_in_dim3A_9 : f32 to vector<256x128xf32>
    %broadcast_in_dim3A_11 = arith.constant 0 : i32
    %broadcast_in_dim3A_12 = vector.broadcast %broadcast_in_dim3A_11 : i32 to vector<256x128xi32>
    %get3A_13 = arith.constant 0 : index
    %get3A_14 = arith.constant 0 : index
    %get3A_15 = vector.load %arg2[%get3A_13, %get3A_14] : memref<8192x256xf32, #tpu.memory_space<vmem>>, vector<2048x256xf32>
    %get3A_16 = arith.constant 0 : index
    %get3A_17 = arith.constant 0 : index
    %get3A_18 = vector.load %arg7[%get3A_16, %get3A_17] : memref<1x8192xf32, #tpu.memory_space<vmem>>, vector<1x2048xf32>
    %dot_general3A = arith.constant dense<0.000000e+00> : vector<256x2048xf32>
    %dot_general3A_19 = tpu.matmul %get3A_7, %get3A_15, %dot_general3A {dimension_numbers = #tpu.dot_dimension_numbers<[1], [1], [0], [0], [0, 0, 1, 0], [], []>, transpose_lhs_hint = false} : vector<256x256xf32>, vector<2048x256xf32>, vector<256x2048xf32> -> vector<256x2048xf32>
    %add3A = vector.broadcast %broadcast_in_dim3A : vector<256x1xf32> to vector<256x2048xf32>
    %add3A_20 = vector.broadcast %get3A_18 : vector<1x2048xf32> to vector<256x2048xf32>
    %add3A_21 = arith.addf %add3A, %add3A_20 : vector<256x2048xf32>
    %mul3A_22 = arith.constant 2.000000e+00 : f32
    %mul3A_23 = vector.broadcast %mul3A_22 : f32 to vector<256x2048xf32>
    %mul3A_24 = arith.mulf %mul3A_23, %dot_general3A_19 : vector<256x2048xf32>
    %sub3A = arith.subf %add3A_21, %mul3A_24 : vector<256x2048xf32>
    %slice3A = vector.extract_strided_slice %sub3A {offsets = [0, 0], sizes = [256, 128], strides = [1, 1]} : vector<256x2048xf32> to vector<256x128xf32>
    %lt3A_25 = arith.cmpf olt, %slice3A, %broadcast_in_dim3A_10 : vector<256x128xf32>
    %select_n3A = arith.select %lt3A_25, %slice3A, %broadcast_in_dim3A_10 : vector<256x128xi1>, vector<256x128xf32>
    %jit3A = arith.constant 0 : i32
    %broadcast_in_dim3A_26 = vector.broadcast %jit3A : i32 to vector<256x128xi32>
    %select_n3A_27 = arith.select %lt3A_25, %broadcast_in_dim3A_26, %broadcast_in_dim3A_12 : vector<256x128xi1>, vector<256x128xi32>
    %slice3A_28 = vector.extract_strided_slice %sub3A {offsets = [0, 128], sizes = [256, 128], strides = [1, 1]} : vector<256x2048xf32> to vector<256x128xf32>
    %lt3A_29 = arith.cmpf olt, %slice3A_28, %select_n3A : vector<256x128xf32>
    %select_n3A_30 = arith.select %lt3A_29, %slice3A_28, %select_n3A : vector<256x128xi1>, vector<256x128xf32>
    %jit3A_31 = arith.constant 1 : i32
    %broadcast_in_dim3A_32 = vector.broadcast %jit3A_31 : i32 to vector<256x128xi32>
    %select_n3A_33 = arith.select %lt3A_29, %broadcast_in_dim3A_32, %select_n3A_27 : vector<256x128xi1>, vector<256x128xi32>
    %slice3A_34 = vector.extract_strided_slice %sub3A {offsets = [0, 256], sizes = [256, 128], strides = [1, 1]} : vector<256x2048xf32> to vector<256x128xf32>
    %lt3A_35 = arith.cmpf olt, %slice3A_34, %select_n3A_30 : vector<256x128xf32>
    %select_n3A_36 = arith.select %lt3A_35, %slice3A_34, %select_n3A_30 : vector<256x128xi1>, vector<256x128xf32>
    %jit3A_37 = arith.constant 2 : i32
    %broadcast_in_dim3A_38 = vector.broadcast %jit3A_37 : i32 to vector<256x128xi32>
    %select_n3A_39 = arith.select %lt3A_35, %broadcast_in_dim3A_38, %select_n3A_33 : vector<256x128xi1>, vector<256x128xi32>
    %slice3A_40 = vector.extract_strided_slice %sub3A {offsets = [0, 384], sizes = [256, 128], strides = [1, 1]} : vector<256x2048xf32> to vector<256x128xf32>
    %lt3A_41 = arith.cmpf olt, %slice3A_40, %select_n3A_36 : vector<256x128xf32>
    %select_n3A_42 = arith.select %lt3A_41, %slice3A_40, %select_n3A_36 : vector<256x128xi1>, vector<256x128xf32>
    %jit3A_43 = arith.constant 3 : i32
    %broadcast_in_dim3A_44 = vector.broadcast %jit3A_43 : i32 to vector<256x128xi32>
    %select_n3A_45 = arith.select %lt3A_41, %broadcast_in_dim3A_44, %select_n3A_39 : vector<256x128xi1>, vector<256x128xi32>
    %slice3A_46 = vector.extract_strided_slice %sub3A {offsets = [0, 512], sizes = [256, 128], strides = [1, 1]} : vector<256x2048xf32> to vector<256x128xf32>
    %lt3A_47 = arith.cmpf olt, %slice3A_46, %select_n3A_42 : vector<256x128xf32>
    %select_n3A_48 = arith.select %lt3A_47, %slice3A_46, %select_n3A_42 : vector<256x128xi1>, vector<256x128xf32>
    %jit3A_49 = arith.constant 4 : i32
    %broadcast_in_dim3A_50 = vector.broadcast %jit3A_49 : i32 to vector<256x128xi32>
    %select_n3A_51 = arith.select %lt3A_47, %broadcast_in_dim3A_50, %select_n3A_45 : vector<256x128xi1>, vector<256x128xi32>
    %slice3A_52 = vector.extract_strided_slice %sub3A {offsets = [0, 640], sizes = [256, 128], strides = [1, 1]} : vector<256x2048xf32> to vector<256x128xf32>
    %lt3A_53 = arith.cmpf olt, %slice3A_52, %select_n3A_48 : vector<256x128xf32>
    %select_n3A_54 = arith.select %lt3A_53, %slice3A_52, %select_n3A_48 : vector<256x128xi1>, vector<256x128xf32>
    %jit3A_55 = arith.constant 5 : i32
    %broadcast_in_dim3A_56 = vector.broadcast %jit3A_55 : i32 to vector<256x128xi32>
    %select_n3A_57 = arith.select %lt3A_53, %broadcast_in_dim3A_56, %select_n3A_51 : vector<256x128xi1>, vector<256x128xi32>
    %slice3A_58 = vector.extract_strided_slice %sub3A {offsets = [0, 768], sizes = [256, 128], strides = [1, 1]} : vector<256x2048xf32> to vector<256x128xf32>
    %lt3A_59 = arith.cmpf olt, %slice3A_58, %select_n3A_54 : vector<256x128xf32>
    %select_n3A_60 = arith.select %lt3A_59, %slice3A_58, %select_n3A_54 : vector<256x128xi1>, vector<256x128xf32>
    %jit3A_61 = arith.constant 6 : i32
    %broadcast_in_dim3A_62 = vector.broadcast %jit3A_61 : i32 to vector<256x128xi32>
    %select_n3A_63 = arith.select %lt3A_59, %broadcast_in_dim3A_62, %select_n3A_57 : vector<256x128xi1>, vector<256x128xi32>
    %slice3A_64 = vector.extract_strided_slice %sub3A {offsets = [0, 896], sizes = [256, 128], strides = [1, 1]} : vector<256x2048xf32> to vector<256x128xf32>
    %lt3A_65 = arith.cmpf olt, %slice3A_64, %select_n3A_60 : vector<256x128xf32>
    %select_n3A_66 = arith.select %lt3A_65, %slice3A_64, %select_n3A_60 : vector<256x128xi1>, vector<256x128xf32>
    %jit3A_67 = arith.constant 7 : i32
    %broadcast_in_dim3A_68 = vector.broadcast %jit3A_67 : i32 to vector<256x128xi32>
    %select_n3A_69 = arith.select %lt3A_65, %broadcast_in_dim3A_68, %select_n3A_63 : vector<256x128xi1>, vector<256x128xi32>
    %slice3A_70 = vector.extract_strided_slice %sub3A {offsets = [0, 1024], sizes = [256, 128], strides = [1, 1]} : vector<256x2048xf32> to vector<256x128xf32>
    %lt3A_71 = arith.cmpf olt, %slice3A_70, %select_n3A_66 : vector<256x128xf32>
    %select_n3A_72 = arith.select %lt3A_71, %slice3A_70, %select_n3A_66 : vector<256x128xi1>, vector<256x128xf32>
    %jit3A_73 = arith.constant 8 : i32
    %broadcast_in_dim3A_74 = vector.broadcast %jit3A_73 : i32 to vector<256x128xi32>
    %select_n3A_75 = arith.select %lt3A_71, %broadcast_in_dim3A_74, %select_n3A_69 : vector<256x128xi1>, vector<256x128xi32>
    %slice3A_76 = vector.extract_strided_slice %sub3A {offsets = [0, 1152], sizes = [256, 128], strides = [1, 1]} : vector<256x2048xf32> to vector<256x128xf32>
    %lt3A_77 = arith.cmpf olt, %slice3A_76, %select_n3A_72 : vector<256x128xf32>
    %select_n3A_78 = arith.select %lt3A_77, %slice3A_76, %select_n3A_72 : vector<256x128xi1>, vector<256x128xf32>
    %jit3A_79 = arith.constant 9 : i32
    %broadcast_in_dim3A_80 = vector.broadcast %jit3A_79 : i32 to vector<256x128xi32>
    %select_n3A_81 = arith.select %lt3A_77, %broadcast_in_dim3A_80, %select_n3A_75 : vector<256x128xi1>, vector<256x128xi32>
    %slice3A_82 = vector.extract_strided_slice %sub3A {offsets = [0, 1280], sizes = [256, 128], strides = [1, 1]} : vector<256x2048xf32> to vector<256x128xf32>
    %lt3A_83 = arith.cmpf olt, %slice3A_82, %select_n3A_78 : vector<256x128xf32>
    %select_n3A_84 = arith.select %lt3A_83, %slice3A_82, %select_n3A_78 : vector<256x128xi1>, vector<256x128xf32>
    %jit3A_85 = arith.constant 10 : i32
    %broadcast_in_dim3A_86 = vector.broadcast %jit3A_85 : i32 to vector<256x128xi32>
    %select_n3A_87 = arith.select %lt3A_83, %broadcast_in_dim3A_86, %select_n3A_81 : vector<256x128xi1>, vector<256x128xi32>
    %slice3A_88 = vector.extract_strided_slice %sub3A {offsets = [0, 1408], sizes = [256, 128], strides = [1, 1]} : vector<256x2048xf32> to vector<256x128xf32>
    %lt3A_89 = arith.cmpf olt, %slice3A_88, %select_n3A_84 : vector<256x128xf32>
    %select_n3A_90 = arith.select %lt3A_89, %slice3A_88, %select_n3A_84 : vector<256x128xi1>, vector<256x128xf32>
    %jit3A_91 = arith.constant 11 : i32
    %broadcast_in_dim3A_92 = vector.broadcast %jit3A_91 : i32 to vector<256x128xi32>
    %select_n3A_93 = arith.select %lt3A_89, %broadcast_in_dim3A_92, %select_n3A_87 : vector<256x128xi1>, vector<256x128xi32>
    %slice3A_94 = vector.extract_strided_slice %sub3A {offsets = [0, 1536], sizes = [256, 128], strides = [1, 1]} : vector<256x2048xf32> to vector<256x128xf32>
    %lt3A_95 = arith.cmpf olt, %slice3A_94, %select_n3A_90 : vector<256x128xf32>
    %select_n3A_96 = arith.select %lt3A_95, %slice3A_94, %select_n3A_90 : vector<256x128xi1>, vector<256x128xf32>
    %jit3A_97 = arith.constant 12 : i32
    %broadcast_in_dim3A_98 = vector.broadcast %jit3A_97 : i32 to vector<256x128xi32>
    %select_n3A_99 = arith.select %lt3A_95, %broadcast_in_dim3A_98, %select_n3A_93 : vector<256x128xi1>, vector<256x128xi32>
    %slice3A_100 = vector.extract_strided_slice %sub3A {offsets = [0, 1664], sizes = [256, 128], strides = [1, 1]} : vector<256x2048xf32> to vector<256x128xf32>
    %lt3A_101 = arith.cmpf olt, %slice3A_100, %select_n3A_96 : vector<256x128xf32>
    %select_n3A_102 = arith.select %lt3A_101, %slice3A_100, %select_n3A_96 : vector<256x128xi1>, vector<256x128xf32>
    %jit3A_103 = arith.constant 13 : i32
    %broadcast_in_dim3A_104 = vector.broadcast %jit3A_103 : i32 to vector<256x128xi32>
    %select_n3A_105 = arith.select %lt3A_101, %broadcast_in_dim3A_104, %select_n3A_99 : vector<256x128xi1>, vector<256x128xi32>
    %slice3A_106 = vector.extract_strided_slice %sub3A {offsets = [0, 1792], sizes = [256, 128], strides = [1, 1]} : vector<256x2048xf32> to vector<256x128xf32>
    %lt3A_107 = arith.cmpf olt, %slice3A_106, %select_n3A_102 : vector<256x128xf32>
    %select_n3A_108 = arith.select %lt3A_107, %slice3A_106, %select_n3A_102 : vector<256x128xi1>, vector<256x128xf32>
    %jit3A_109 = arith.constant 14 : i32
    %broadcast_in_dim3A_110 = vector.broadcast %jit3A_109 : i32 to vector<256x128xi32>
    %select_n3A_111 = arith.select %lt3A_107, %broadcast_in_dim3A_110, %select_n3A_105 : vector<256x128xi1>, vector<256x128xi32>
    %slice3A_112 = vector.extract_strided_slice %sub3A {offsets = [0, 1920], sizes = [256, 128], strides = [1, 1]} : vector<256x2048xf32> to vector<256x128xf32>
    %lt3A_113 = arith.cmpf olt, %slice3A_112, %select_n3A_108 : vector<256x128xf32>
    %select_n3A_114 = arith.select %lt3A_113, %slice3A_112, %select_n3A_108 : vector<256x128xi1>, vector<256x128xf32>
    %jit3A_115 = arith.constant 15 : i32
    %broadcast_in_dim3A_116 = vector.broadcast %jit3A_115 : i32 to vector<256x128xi32>
    %select_n3A_117 = arith.select %lt3A_113, %broadcast_in_dim3A_116, %select_n3A_111 : vector<256x128xi1>, vector<256x128xi32>
    %get3A_118 = arith.constant 2048 : index
    %get3A_119 = arith.constant 0 : index
    %get3A_120 = vector.load %arg2[%get3A_118, %get3A_119] : memref<8192x256xf32, #tpu.memory_space<vmem>>, vector<2048x256xf32>
    %get3A_121 = arith.constant 0 : index
    %get3A_122 = arith.constant 2048 : index
    %get3A_123 = vector.load %arg7[%get3A_121, %get3A_122] : memref<1x8192xf32, #tpu.memory_space<vmem>>, vector<1x2048xf32>
    %dot_general3A_124 = arith.constant dense<0.000000e+00> : vector<256x2048xf32>
    %dot_general3A_125 = tpu.matmul %get3A_7, %get3A_120, %dot_general3A_124 {dimension_numbers = #tpu.dot_dimension_numbers<[1], [1], [0], [0], [0, 0, 1, 0], [], []>, transpose_lhs_hint = false} : vector<256x256xf32>, vector<2048x256xf32>, vector<256x2048xf32> -> vector<256x2048xf32>
    %add3A_126 = vector.broadcast %broadcast_in_dim3A : vector<256x1xf32> to vector<256x2048xf32>
    %add3A_127 = vector.broadcast %get3A_123 : vector<1x2048xf32> to vector<256x2048xf32>
    %add3A_128 = arith.addf %add3A_126, %add3A_127 : vector<256x2048xf32>
    %mul3A_129 = arith.constant 2.000000e+00 : f32
    %mul3A_130 = vector.broadcast %mul3A_129 : f32 to vector<256x2048xf32>
    %mul3A_131 = arith.mulf %mul3A_130, %dot_general3A_125 : vector<256x2048xf32>
    %sub3A_132 = arith.subf %add3A_128, %mul3A_131 : vector<256x2048xf32>
    %slice3A_133 = vector.extract_strided_slice %sub3A_132 {offsets = [0, 0], sizes = [256, 128], strides = [1, 1]} : vector<256x2048xf32> to vector<256x128xf32>
    %lt3A_134 = arith.cmpf olt, %slice3A_133, %select_n3A_114 : vector<256x128xf32>
    %select_n3A_135 = arith.select %lt3A_134, %slice3A_133, %select_n3A_114 : vector<256x128xi1>, vector<256x128xf32>
    %jit3A_136 = arith.constant 16 : i32
    %broadcast_in_dim3A_137 = vector.broadcast %jit3A_136 : i32 to vector<256x128xi32>
    %select_n3A_138 = arith.select %lt3A_134, %broadcast_in_dim3A_137, %select_n3A_117 : vector<256x128xi1>, vector<256x128xi32>
    %slice3A_139 = vector.extract_strided_slice %sub3A_132 {offsets = [0, 128], sizes = [256, 128], strides = [1, 1]} : vector<256x2048xf32> to vector<256x128xf32>
    %lt3A_140 = arith.cmpf olt, %slice3A_139, %select_n3A_135 : vector<256x128xf32>
    %select_n3A_141 = arith.select %lt3A_140, %slice3A_139, %select_n3A_135 : vector<256x128xi1>, vector<256x128xf32>
    %jit3A_142 = arith.constant 17 : i32
    %broadcast_in_dim3A_143 = vector.broadcast %jit3A_142 : i32 to vector<256x128xi32>
    %select_n3A_144 = arith.select %lt3A_140, %broadcast_in_dim3A_143, %select_n3A_138 : vector<256x128xi1>, vector<256x128xi32>
    %slice3A_145 = vector.extract_strided_slice %sub3A_132 {offsets = [0, 256], sizes = [256, 128], strides = [1, 1]} : vector<256x2048xf32> to vector<256x128xf32>
    %lt3A_146 = arith.cmpf olt, %slice3A_145, %select_n3A_141 : vector<256x128xf32>
    %select_n3A_147 = arith.select %lt3A_146, %slice3A_145, %select_n3A_141 : vector<256x128xi1>, vector<256x128xf32>
    %jit3A_148 = arith.constant 18 : i32
    %broadcast_in_dim3A_149 = vector.broadcast %jit3A_148 : i32 to vector<256x128xi32>
    %select_n3A_150 = arith.select %lt3A_146, %broadcast_in_dim3A_149, %select_n3A_144 : vector<256x128xi1>, vector<256x128xi32>
    %slice3A_151 = vector.extract_strided_slice %sub3A_132 {offsets = [0, 384], sizes = [256, 128], strides = [1, 1]} : vector<256x2048xf32> to vector<256x128xf32>
    %lt3A_152 = arith.cmpf olt, %slice3A_151, %select_n3A_147 : vector<256x128xf32>
    %select_n3A_153 = arith.select %lt3A_152, %slice3A_151, %select_n3A_147 : vector<256x128xi1>, vector<256x128xf32>
    %jit3A_154 = arith.constant 19 : i32
    %broadcast_in_dim3A_155 = vector.broadcast %jit3A_154 : i32 to vector<256x128xi32>
    %select_n3A_156 = arith.select %lt3A_152, %broadcast_in_dim3A_155, %select_n3A_150 : vector<256x128xi1>, vector<256x128xi32>
    %slice3A_157 = vector.extract_strided_slice %sub3A_132 {offsets = [0, 512], sizes = [256, 128], strides = [1, 1]} : vector<256x2048xf32> to vector<256x128xf32>
    %lt3A_158 = arith.cmpf olt, %slice3A_157, %select_n3A_153 : vector<256x128xf32>
    %select_n3A_159 = arith.select %lt3A_158, %slice3A_157, %select_n3A_153 : vector<256x128xi1>, vector<256x128xf32>
    %jit3A_160 = arith.constant 20 : i32
    %broadcast_in_dim3A_161 = vector.broadcast %jit3A_160 : i32 to vector<256x128xi32>
    %select_n3A_162 = arith.select %lt3A_158, %broadcast_in_dim3A_161, %select_n3A_156 : vector<256x128xi1>, vector<256x128xi32>
    %slice3A_163 = vector.extract_strided_slice %sub3A_132 {offsets = [0, 640], sizes = [256, 128], strides = [1, 1]} : vector<256x2048xf32> to vector<256x128xf32>
    %lt3A_164 = arith.cmpf olt, %slice3A_163, %select_n3A_159 : vector<256x128xf32>
    %select_n3A_165 = arith.select %lt3A_164, %slice3A_163, %select_n3A_159 : vector<256x128xi1>, vector<256x128xf32>
    %jit3A_166 = arith.constant 21 : i32
    %broadcast_in_dim3A_167 = vector.broadcast %jit3A_166 : i32 to vector<256x128xi32>
    %select_n3A_168 = arith.select %lt3A_164, %broadcast_in_dim3A_167, %select_n3A_162 : vector<256x128xi1>, vector<256x128xi32>
    %slice3A_169 = vector.extract_strided_slice %sub3A_132 {offsets = [0, 768], sizes = [256, 128], strides = [1, 1]} : vector<256x2048xf32> to vector<256x128xf32>
    %lt3A_170 = arith.cmpf olt, %slice3A_169, %select_n3A_165 : vector<256x128xf32>
    %select_n3A_171 = arith.select %lt3A_170, %slice3A_169, %select_n3A_165 : vector<256x128xi1>, vector<256x128xf32>
    %jit3A_172 = arith.constant 22 : i32
    %broadcast_in_dim3A_173 = vector.broadcast %jit3A_172 : i32 to vector<256x128xi32>
    %select_n3A_174 = arith.select %lt3A_170, %broadcast_in_dim3A_173, %select_n3A_168 : vector<256x128xi1>, vector<256x128xi32>
    %slice3A_175 = vector.extract_strided_slice %sub3A_132 {offsets = [0, 896], sizes = [256, 128], strides = [1, 1]} : vector<256x2048xf32> to vector<256x128xf32>
    %lt3A_176 = arith.cmpf olt, %slice3A_175, %select_n3A_171 : vector<256x128xf32>
    %select_n3A_177 = arith.select %lt3A_176, %slice3A_175, %select_n3A_171 : vector<256x128xi1>, vector<256x128xf32>
    %jit3A_178 = arith.constant 23 : i32
    %broadcast_in_dim3A_179 = vector.broadcast %jit3A_178 : i32 to vector<256x128xi32>
    %select_n3A_180 = arith.select %lt3A_176, %broadcast_in_dim3A_179, %select_n3A_174 : vector<256x128xi1>, vector<256x128xi32>
    %slice3A_181 = vector.extract_strided_slice %sub3A_132 {offsets = [0, 1024], sizes = [256, 128], strides = [1, 1]} : vector<256x2048xf32> to vector<256x128xf32>
    %lt3A_182 = arith.cmpf olt, %slice3A_181, %select_n3A_177 : vector<256x128xf32>
    %select_n3A_183 = arith.select %lt3A_182, %slice3A_181, %select_n3A_177 : vector<256x128xi1>, vector<256x128xf32>
    %jit3A_184 = arith.constant 24 : i32
    %broadcast_in_dim3A_185 = vector.broadcast %jit3A_184 : i32 to vector<256x128xi32>
    %select_n3A_186 = arith.select %lt3A_182, %broadcast_in_dim3A_185, %select_n3A_180 : vector<256x128xi1>, vector<256x128xi32>
    %slice3A_187 = vector.extract_strided_slice %sub3A_132 {offsets = [0, 1152], sizes = [256, 128], strides = [1, 1]} : vector<256x2048xf32> to vector<256x128xf32>
    %lt3A_188 = arith.cmpf olt, %slice3A_187, %select_n3A_183 : vector<256x128xf32>
    %select_n3A_189 = arith.select %lt3A_188, %slice3A_187, %select_n3A_183 : vector<256x128xi1>, vector<256x128xf32>
    %jit3A_190 = arith.constant 25 : i32
    %broadcast_in_dim3A_191 = vector.broadcast %jit3A_190 : i32 to vector<256x128xi32>
    %select_n3A_192 = arith.select %lt3A_188, %broadcast_in_dim3A_191, %select_n3A_186 : vector<256x128xi1>, vector<256x128xi32>
    %slice3A_193 = vector.extract_strided_slice %sub3A_132 {offsets = [0, 1280], sizes = [256, 128], strides = [1, 1]} : vector<256x2048xf32> to vector<256x128xf32>
    %lt3A_194 = arith.cmpf olt, %slice3A_193, %select_n3A_189 : vector<256x128xf32>
    %select_n3A_195 = arith.select %lt3A_194, %slice3A_193, %select_n3A_189 : vector<256x128xi1>, vector<256x128xf32>
    %jit3A_196 = arith.constant 26 : i32
    %broadcast_in_dim3A_197 = vector.broadcast %jit3A_196 : i32 to vector<256x128xi32>
    %select_n3A_198 = arith.select %lt3A_194, %broadcast_in_dim3A_197, %select_n3A_192 : vector<256x128xi1>, vector<256x128xi32>
    %slice3A_199 = vector.extract_strided_slice %sub3A_132 {offsets = [0, 1408], sizes = [256, 128], strides = [1, 1]} : vector<256x2048xf32> to vector<256x128xf32>
    %lt3A_200 = arith.cmpf olt, %slice3A_199, %select_n3A_195 : vector<256x128xf32>
    %select_n3A_201 = arith.select %lt3A_200, %slice3A_199, %select_n3A_195 : vector<256x128xi1>, vector<256x128xf32>
    %jit3A_202 = arith.constant 27 : i32
    %broadcast_in_dim3A_203 = vector.broadcast %jit3A_202 : i32 to vector<256x128xi32>
    %select_n3A_204 = arith.select %lt3A_200, %broadcast_in_dim3A_203, %select_n3A_198 : vector<256x128xi1>, vector<256x128xi32>
    %slice3A_205 = vector.extract_strided_slice %sub3A_132 {offsets = [0, 1536], sizes = [256, 128], strides = [1, 1]} : vector<256x2048xf32> to vector<256x128xf32>
    %lt3A_206 = arith.cmpf olt, %slice3A_205, %select_n3A_201 : vector<256x128xf32>
    %select_n3A_207 = arith.select %lt3A_206, %slice3A_205, %select_n3A_201 : vector<256x128xi1>, vector<256x128xf32>
    %jit3A_208 = arith.constant 28 : i32
    %broadcast_in_dim3A_209 = vector.broadcast %jit3A_208 : i32 to vector<256x128xi32>
    %select_n3A_210 = arith.select %lt3A_206, %broadcast_in_dim3A_209, %select_n3A_204 : vector<256x128xi1>, vector<256x128xi32>
    %slice3A_211 = vector.extract_strided_slice %sub3A_132 {offsets = [0, 1664], sizes = [256, 128], strides = [1, 1]} : vector<256x2048xf32> to vector<256x128xf32>
    %lt3A_212 = arith.cmpf olt, %slice3A_211, %select_n3A_207 : vector<256x128xf32>
    %select_n3A_213 = arith.select %lt3A_212, %slice3A_211, %select_n3A_207 : vector<256x128xi1>, vector<256x128xf32>
    %jit3A_214 = arith.constant 29 : i32
    %broadcast_in_dim3A_215 = vector.broadcast %jit3A_214 : i32 to vector<256x128xi32>
    %select_n3A_216 = arith.select %lt3A_212, %broadcast_in_dim3A_215, %select_n3A_210 : vector<256x128xi1>, vector<256x128xi32>
    %slice3A_217 = vector.extract_strided_slice %sub3A_132 {offsets = [0, 1792], sizes = [256, 128], strides = [1, 1]} : vector<256x2048xf32> to vector<256x128xf32>
    %lt3A_218 = arith.cmpf olt, %slice3A_217, %select_n3A_213 : vector<256x128xf32>
    %select_n3A_219 = arith.select %lt3A_218, %slice3A_217, %select_n3A_213 : vector<256x128xi1>, vector<256x128xf32>
    %jit3A_220 = arith.constant 30 : i32
    %broadcast_in_dim3A_221 = vector.broadcast %jit3A_220 : i32 to vector<256x128xi32>
    %select_n3A_222 = arith.select %lt3A_218, %broadcast_in_dim3A_221, %select_n3A_216 : vector<256x128xi1>, vector<256x128xi32>
    %slice3A_223 = vector.extract_strided_slice %sub3A_132 {offsets = [0, 1920], sizes = [256, 128], strides = [1, 1]} : vector<256x2048xf32> to vector<256x128xf32>
    %lt3A_224 = arith.cmpf olt, %slice3A_223, %select_n3A_219 : vector<256x128xf32>
    %select_n3A_225 = arith.select %lt3A_224, %slice3A_223, %select_n3A_219 : vector<256x128xi1>, vector<256x128xf32>
    %jit3A_226 = arith.constant 31 : i32
    %broadcast_in_dim3A_227 = vector.broadcast %jit3A_226 : i32 to vector<256x128xi32>
    %select_n3A_228 = arith.select %lt3A_224, %broadcast_in_dim3A_227, %select_n3A_222 : vector<256x128xi1>, vector<256x128xi32>
    %get3A_229 = arith.constant 4096 : index
    %get3A_230 = arith.constant 0 : index
    %get3A_231 = vector.load %arg2[%get3A_229, %get3A_230] : memref<8192x256xf32, #tpu.memory_space<vmem>>, vector<2048x256xf32>
    %get3A_232 = arith.constant 0 : index
    %get3A_233 = arith.constant 4096 : index
    %get3A_234 = vector.load %arg7[%get3A_232, %get3A_233] : memref<1x8192xf32, #tpu.memory_space<vmem>>, vector<1x2048xf32>
    %dot_general3A_235 = arith.constant dense<0.000000e+00> : vector<256x2048xf32>
    %dot_general3A_236 = tpu.matmul %get3A_7, %get3A_231, %dot_general3A_235 {dimension_numbers = #tpu.dot_dimension_numbers<[1], [1], [0], [0], [0, 0, 1, 0], [], []>, transpose_lhs_hint = false} : vector<256x256xf32>, vector<2048x256xf32>, vector<256x2048xf32> -> vector<256x2048xf32>
    %add3A_237 = vector.broadcast %broadcast_in_dim3A : vector<256x1xf32> to vector<256x2048xf32>
    %add3A_238 = vector.broadcast %get3A_234 : vector<1x2048xf32> to vector<256x2048xf32>
    %add3A_239 = arith.addf %add3A_237, %add3A_238 : vector<256x2048xf32>
    %mul3A_240 = arith.constant 2.000000e+00 : f32
    %mul3A_241 = vector.broadcast %mul3A_240 : f32 to vector<256x2048xf32>
    %mul3A_242 = arith.mulf %mul3A_241, %dot_general3A_236 : vector<256x2048xf32>
    %sub3A_243 = arith.subf %add3A_239, %mul3A_242 : vector<256x2048xf32>
    %slice3A_244 = vector.extract_strided_slice %sub3A_243 {offsets = [0, 0], sizes = [256, 128], strides = [1, 1]} : vector<256x2048xf32> to vector<256x128xf32>
    %lt3A_245 = arith.cmpf olt, %slice3A_244, %select_n3A_225 : vector<256x128xf32>
    %select_n3A_246 = arith.select %lt3A_245, %slice3A_244, %select_n3A_225 : vector<256x128xi1>, vector<256x128xf32>
    %jit3A_247 = arith.constant 32 : i32
    %broadcast_in_dim3A_248 = vector.broadcast %jit3A_247 : i32 to vector<256x128xi32>
    %select_n3A_249 = arith.select %lt3A_245, %broadcast_in_dim3A_248, %select_n3A_228 : vector<256x128xi1>, vector<256x128xi32>
    %slice3A_250 = vector.extract_strided_slice %sub3A_243 {offsets = [0, 128], sizes = [256, 128], strides = [1, 1]} : vector<256x2048xf32> to vector<256x128xf32>
    %lt3A_251 = arith.cmpf olt, %slice3A_250, %select_n3A_246 : vector<256x128xf32>
    %select_n3A_252 = arith.select %lt3A_251, %slice3A_250, %select_n3A_246 : vector<256x128xi1>, vector<256x128xf32>
    %jit3A_253 = arith.constant 33 : i32
    %broadcast_in_dim3A_254 = vector.broadcast %jit3A_253 : i32 to vector<256x128xi32>
    %select_n3A_255 = arith.select %lt3A_251, %broadcast_in_dim3A_254, %select_n3A_249 : vector<256x128xi1>, vector<256x128xi32>
    %slice3A_256 = vector.extract_strided_slice %sub3A_243 {offsets = [0, 256], sizes = [256, 128], strides = [1, 1]} : vector<256x2048xf32> to vector<256x128xf32>
    %lt3A_257 = arith.cmpf olt, %slice3A_256, %select_n3A_252 : vector<256x128xf32>
    %select_n3A_258 = arith.select %lt3A_257, %slice3A_256, %select_n3A_252 : vector<256x128xi1>, vector<256x128xf32>
    %jit3A_259 = arith.constant 34 : i32
    %broadcast_in_dim3A_260 = vector.broadcast %jit3A_259 : i32 to vector<256x128xi32>
    %select_n3A_261 = arith.select %lt3A_257, %broadcast_in_dim3A_260, %select_n3A_255 : vector<256x128xi1>, vector<256x128xi32>
    %slice3A_262 = vector.extract_strided_slice %sub3A_243 {offsets = [0, 384], sizes = [256, 128], strides = [1, 1]} : vector<256x2048xf32> to vector<256x128xf32>
    %lt3A_263 = arith.cmpf olt, %slice3A_262, %select_n3A_258 : vector<256x128xf32>
    %select_n3A_264 = arith.select %lt3A_263, %slice3A_262, %select_n3A_258 : vector<256x128xi1>, vector<256x128xf32>
    %jit3A_265 = arith.constant 35 : i32
    %broadcast_in_dim3A_266 = vector.broadcast %jit3A_265 : i32 to vector<256x128xi32>
    %select_n3A_267 = arith.select %lt3A_263, %broadcast_in_dim3A_266, %select_n3A_261 : vector<256x128xi1>, vector<256x128xi32>
    %slice3A_268 = vector.extract_strided_slice %sub3A_243 {offsets = [0, 512], sizes = [256, 128], strides = [1, 1]} : vector<256x2048xf32> to vector<256x128xf32>
    %lt3A_269 = arith.cmpf olt, %slice3A_268, %select_n3A_264 : vector<256x128xf32>
    %select_n3A_270 = arith.select %lt3A_269, %slice3A_268, %select_n3A_264 : vector<256x128xi1>, vector<256x128xf32>
    %jit3A_271 = arith.constant 36 : i32
    %broadcast_in_dim3A_272 = vector.broadcast %jit3A_271 : i32 to vector<256x128xi32>
    %select_n3A_273 = arith.select %lt3A_269, %broadcast_in_dim3A_272, %select_n3A_267 : vector<256x128xi1>, vector<256x128xi32>
    %slice3A_274 = vector.extract_strided_slice %sub3A_243 {offsets = [0, 640], sizes = [256, 128], strides = [1, 1]} : vector<256x2048xf32> to vector<256x128xf32>
    %lt3A_275 = arith.cmpf olt, %slice3A_274, %select_n3A_270 : vector<256x128xf32>
    %select_n3A_276 = arith.select %lt3A_275, %slice3A_274, %select_n3A_270 : vector<256x128xi1>, vector<256x128xf32>
    %jit3A_277 = arith.constant 37 : i32
    %broadcast_in_dim3A_278 = vector.broadcast %jit3A_277 : i32 to vector<256x128xi32>
    %select_n3A_279 = arith.select %lt3A_275, %broadcast_in_dim3A_278, %select_n3A_273 : vector<256x128xi1>, vector<256x128xi32>
    %slice3A_280 = vector.extract_strided_slice %sub3A_243 {offsets = [0, 768], sizes = [256, 128], strides = [1, 1]} : vector<256x2048xf32> to vector<256x128xf32>
    %lt3A_281 = arith.cmpf olt, %slice3A_280, %select_n3A_276 : vector<256x128xf32>
    %select_n3A_282 = arith.select %lt3A_281, %slice3A_280, %select_n3A_276 : vector<256x128xi1>, vector<256x128xf32>
    %jit3A_283 = arith.constant 38 : i32
    %broadcast_in_dim3A_284 = vector.broadcast %jit3A_283 : i32 to vector<256x128xi32>
    %select_n3A_285 = arith.select %lt3A_281, %broadcast_in_dim3A_284, %select_n3A_279 : vector<256x128xi1>, vector<256x128xi32>
    %slice3A_286 = vector.extract_strided_slice %sub3A_243 {offsets = [0, 896], sizes = [256, 128], strides = [1, 1]} : vector<256x2048xf32> to vector<256x128xf32>
    %lt3A_287 = arith.cmpf olt, %slice3A_286, %select_n3A_282 : vector<256x128xf32>
    %select_n3A_288 = arith.select %lt3A_287, %slice3A_286, %select_n3A_282 : vector<256x128xi1>, vector<256x128xf32>
    %jit3A_289 = arith.constant 39 : i32
    %broadcast_in_dim3A_290 = vector.broadcast %jit3A_289 : i32 to vector<256x128xi32>
    %select_n3A_291 = arith.select %lt3A_287, %broadcast_in_dim3A_290, %select_n3A_285 : vector<256x128xi1>, vector<256x128xi32>
    %slice3A_292 = vector.extract_strided_slice %sub3A_243 {offsets = [0, 1024], sizes = [256, 128], strides = [1, 1]} : vector<256x2048xf32> to vector<256x128xf32>
    %lt3A_293 = arith.cmpf olt, %slice3A_292, %select_n3A_288 : vector<256x128xf32>
    %select_n3A_294 = arith.select %lt3A_293, %slice3A_292, %select_n3A_288 : vector<256x128xi1>, vector<256x128xf32>
    %jit3A_295 = arith.constant 40 : i32
    %broadcast_in_dim3A_296 = vector.broadcast %jit3A_295 : i32 to vector<256x128xi32>
    %select_n3A_297 = arith.select %lt3A_293, %broadcast_in_dim3A_296, %select_n3A_291 : vector<256x128xi1>, vector<256x128xi32>
    %slice3A_298 = vector.extract_strided_slice %sub3A_243 {offsets = [0, 1152], sizes = [256, 128], strides = [1, 1]} : vector<256x2048xf32> to vector<256x128xf32>
    %lt3A_299 = arith.cmpf olt, %slice3A_298, %select_n3A_294 : vector<256x128xf32>
    %select_n3A_300 = arith.select %lt3A_299, %slice3A_298, %select_n3A_294 : vector<256x128xi1>, vector<256x128xf32>
    %jit3A_301 = arith.constant 41 : i32
    %broadcast_in_dim3A_302 = vector.broadcast %jit3A_301 : i32 to vector<256x128xi32>
    %select_n3A_303 = arith.select %lt3A_299, %broadcast_in_dim3A_302, %select_n3A_297 : vector<256x128xi1>, vector<256x128xi32>
    %slice3A_304 = vector.extract_strided_slice %sub3A_243 {offsets = [0, 1280], sizes = [256, 128], strides = [1, 1]} : vector<256x2048xf32> to vector<256x128xf32>
    %lt3A_305 = arith.cmpf olt, %slice3A_304, %select_n3A_300 : vector<256x128xf32>
    %select_n3A_306 = arith.select %lt3A_305, %slice3A_304, %select_n3A_300 : vector<256x128xi1>, vector<256x128xf32>
    %jit3A_307 = arith.constant 42 : i32
    %broadcast_in_dim3A_308 = vector.broadcast %jit3A_307 : i32 to vector<256x128xi32>
    %select_n3A_309 = arith.select %lt3A_305, %broadcast_in_dim3A_308, %select_n3A_303 : vector<256x128xi1>, vector<256x128xi32>
    %slice3A_310 = vector.extract_strided_slice %sub3A_243 {offsets = [0, 1408], sizes = [256, 128], strides = [1, 1]} : vector<256x2048xf32> to vector<256x128xf32>
    %lt3A_311 = arith.cmpf olt, %slice3A_310, %select_n3A_306 : vector<256x128xf32>
    %select_n3A_312 = arith.select %lt3A_311, %slice3A_310, %select_n3A_306 : vector<256x128xi1>, vector<256x128xf32>
    %jit3A_313 = arith.constant 43 : i32
    %broadcast_in_dim3A_314 = vector.broadcast %jit3A_313 : i32 to vector<256x128xi32>
    %select_n3A_315 = arith.select %lt3A_311, %broadcast_in_dim3A_314, %select_n3A_309 : vector<256x128xi1>, vector<256x128xi32>
    %slice3A_316 = vector.extract_strided_slice %sub3A_243 {offsets = [0, 1536], sizes = [256, 128], strides = [1, 1]} : vector<256x2048xf32> to vector<256x128xf32>
    %lt3A_317 = arith.cmpf olt, %slice3A_316, %select_n3A_312 : vector<256x128xf32>
    %select_n3A_318 = arith.select %lt3A_317, %slice3A_316, %select_n3A_312 : vector<256x128xi1>, vector<256x128xf32>
    %jit3A_319 = arith.constant 44 : i32
    %broadcast_in_dim3A_320 = vector.broadcast %jit3A_319 : i32 to vector<256x128xi32>
    %select_n3A_321 = arith.select %lt3A_317, %broadcast_in_dim3A_320, %select_n3A_315 : vector<256x128xi1>, vector<256x128xi32>
    %slice3A_322 = vector.extract_strided_slice %sub3A_243 {offsets = [0, 1664], sizes = [256, 128], strides = [1, 1]} : vector<256x2048xf32> to vector<256x128xf32>
    %lt3A_323 = arith.cmpf olt, %slice3A_322, %select_n3A_318 : vector<256x128xf32>
    %select_n3A_324 = arith.select %lt3A_323, %slice3A_322, %select_n3A_318 : vector<256x128xi1>, vector<256x128xf32>
    %jit3A_325 = arith.constant 45 : i32
    %broadcast_in_dim3A_326 = vector.broadcast %jit3A_325 : i32 to vector<256x128xi32>
    %select_n3A_327 = arith.select %lt3A_323, %broadcast_in_dim3A_326, %select_n3A_321 : vector<256x128xi1>, vector<256x128xi32>
    %slice3A_328 = vector.extract_strided_slice %sub3A_243 {offsets = [0, 1792], sizes = [256, 128], strides = [1, 1]} : vector<256x2048xf32> to vector<256x128xf32>
    %lt3A_329 = arith.cmpf olt, %slice3A_328, %select_n3A_324 : vector<256x128xf32>
    %select_n3A_330 = arith.select %lt3A_329, %slice3A_328, %select_n3A_324 : vector<256x128xi1>, vector<256x128xf32>
    %jit3A_331 = arith.constant 46 : i32
    %broadcast_in_dim3A_332 = vector.broadcast %jit3A_331 : i32 to vector<256x128xi32>
    %select_n3A_333 = arith.select %lt3A_329, %broadcast_in_dim3A_332, %select_n3A_327 : vector<256x128xi1>, vector<256x128xi32>
    %slice3A_334 = vector.extract_strided_slice %sub3A_243 {offsets = [0, 1920], sizes = [256, 128], strides = [1, 1]} : vector<256x2048xf32> to vector<256x128xf32>
    %lt3A_335 = arith.cmpf olt, %slice3A_334, %select_n3A_330 : vector<256x128xf32>
    %select_n3A_336 = arith.select %lt3A_335, %slice3A_334, %select_n3A_330 : vector<256x128xi1>, vector<256x128xf32>
    %jit3A_337 = arith.constant 47 : i32
    %broadcast_in_dim3A_338 = vector.broadcast %jit3A_337 : i32 to vector<256x128xi32>
    %select_n3A_339 = arith.select %lt3A_335, %broadcast_in_dim3A_338, %select_n3A_333 : vector<256x128xi1>, vector<256x128xi32>
    %get3A_340 = arith.constant 6144 : index
    %get3A_341 = arith.constant 0 : index
    %get3A_342 = vector.load %arg2[%get3A_340, %get3A_341] : memref<8192x256xf32, #tpu.memory_space<vmem>>, vector<2048x256xf32>
    %get3A_343 = arith.constant 0 : index
    %get3A_344 = arith.constant 6144 : index
    %get3A_345 = vector.load %arg7[%get3A_343, %get3A_344] : memref<1x8192xf32, #tpu.memory_space<vmem>>, vector<1x2048xf32>
    %dot_general3A_346 = arith.constant dense<0.000000e+00> : vector<256x2048xf32>
    %dot_general3A_347 = tpu.matmul %get3A_7, %get3A_342, %dot_general3A_346 {dimension_numbers = #tpu.dot_dimension_numbers<[1], [1], [0], [0], [0, 0, 1, 0], [], []>, transpose_lhs_hint = false} : vector<256x256xf32>, vector<2048x256xf32>, vector<256x2048xf32> -> vector<256x2048xf32>
    %add3A_348 = vector.broadcast %broadcast_in_dim3A : vector<256x1xf32> to vector<256x2048xf32>
    %add3A_349 = vector.broadcast %get3A_345 : vector<1x2048xf32> to vector<256x2048xf32>
    %add3A_350 = arith.addf %add3A_348, %add3A_349 : vector<256x2048xf32>
    %mul3A_351 = arith.constant 2.000000e+00 : f32
    %mul3A_352 = vector.broadcast %mul3A_351 : f32 to vector<256x2048xf32>
    %mul3A_353 = arith.mulf %mul3A_352, %dot_general3A_347 : vector<256x2048xf32>
    %sub3A_354 = arith.subf %add3A_350, %mul3A_353 : vector<256x2048xf32>
    %slice3A_355 = vector.extract_strided_slice %sub3A_354 {offsets = [0, 0], sizes = [256, 128], strides = [1, 1]} : vector<256x2048xf32> to vector<256x128xf32>
    %lt3A_356 = arith.cmpf olt, %slice3A_355, %select_n3A_336 : vector<256x128xf32>
    %select_n3A_357 = arith.select %lt3A_356, %slice3A_355, %select_n3A_336 : vector<256x128xi1>, vector<256x128xf32>
    %jit3A_358 = arith.constant 48 : i32
    %broadcast_in_dim3A_359 = vector.broadcast %jit3A_358 : i32 to vector<256x128xi32>
    %select_n3A_360 = arith.select %lt3A_356, %broadcast_in_dim3A_359, %select_n3A_339 : vector<256x128xi1>, vector<256x128xi32>
    %slice3A_361 = vector.extract_strided_slice %sub3A_354 {offsets = [0, 128], sizes = [256, 128], strides = [1, 1]} : vector<256x2048xf32> to vector<256x128xf32>
    %lt3A_362 = arith.cmpf olt, %slice3A_361, %select_n3A_357 : vector<256x128xf32>
    %select_n3A_363 = arith.select %lt3A_362, %slice3A_361, %select_n3A_357 : vector<256x128xi1>, vector<256x128xf32>
    %jit3A_364 = arith.constant 49 : i32
    %broadcast_in_dim3A_365 = vector.broadcast %jit3A_364 : i32 to vector<256x128xi32>
    %select_n3A_366 = arith.select %lt3A_362, %broadcast_in_dim3A_365, %select_n3A_360 : vector<256x128xi1>, vector<256x128xi32>
    %slice3A_367 = vector.extract_strided_slice %sub3A_354 {offsets = [0, 256], sizes = [256, 128], strides = [1, 1]} : vector<256x2048xf32> to vector<256x128xf32>
    %lt3A_368 = arith.cmpf olt, %slice3A_367, %select_n3A_363 : vector<256x128xf32>
    %select_n3A_369 = arith.select %lt3A_368, %slice3A_367, %select_n3A_363 : vector<256x128xi1>, vector<256x128xf32>
    %jit3A_370 = arith.constant 50 : i32
    %broadcast_in_dim3A_371 = vector.broadcast %jit3A_370 : i32 to vector<256x128xi32>
    %select_n3A_372 = arith.select %lt3A_368, %broadcast_in_dim3A_371, %select_n3A_366 : vector<256x128xi1>, vector<256x128xi32>
    %slice3A_373 = vector.extract_strided_slice %sub3A_354 {offsets = [0, 384], sizes = [256, 128], strides = [1, 1]} : vector<256x2048xf32> to vector<256x128xf32>
    %lt3A_374 = arith.cmpf olt, %slice3A_373, %select_n3A_369 : vector<256x128xf32>
    %select_n3A_375 = arith.select %lt3A_374, %slice3A_373, %select_n3A_369 : vector<256x128xi1>, vector<256x128xf32>
    %jit3A_376 = arith.constant 51 : i32
    %broadcast_in_dim3A_377 = vector.broadcast %jit3A_376 : i32 to vector<256x128xi32>
    %select_n3A_378 = arith.select %lt3A_374, %broadcast_in_dim3A_377, %select_n3A_372 : vector<256x128xi1>, vector<256x128xi32>
    %slice3A_379 = vector.extract_strided_slice %sub3A_354 {offsets = [0, 512], sizes = [256, 128], strides = [1, 1]} : vector<256x2048xf32> to vector<256x128xf32>
    %lt3A_380 = arith.cmpf olt, %slice3A_379, %select_n3A_375 : vector<256x128xf32>
    %select_n3A_381 = arith.select %lt3A_380, %slice3A_379, %select_n3A_375 : vector<256x128xi1>, vector<256x128xf32>
    %jit3A_382 = arith.constant 52 : i32
    %broadcast_in_dim3A_383 = vector.broadcast %jit3A_382 : i32 to vector<256x128xi32>
    %select_n3A_384 = arith.select %lt3A_380, %broadcast_in_dim3A_383, %select_n3A_378 : vector<256x128xi1>, vector<256x128xi32>
    %slice3A_385 = vector.extract_strided_slice %sub3A_354 {offsets = [0, 640], sizes = [256, 128], strides = [1, 1]} : vector<256x2048xf32> to vector<256x128xf32>
    %lt3A_386 = arith.cmpf olt, %slice3A_385, %select_n3A_381 : vector<256x128xf32>
    %select_n3A_387 = arith.select %lt3A_386, %slice3A_385, %select_n3A_381 : vector<256x128xi1>, vector<256x128xf32>
    %jit3A_388 = arith.constant 53 : i32
    %broadcast_in_dim3A_389 = vector.broadcast %jit3A_388 : i32 to vector<256x128xi32>
    %select_n3A_390 = arith.select %lt3A_386, %broadcast_in_dim3A_389, %select_n3A_384 : vector<256x128xi1>, vector<256x128xi32>
    %slice3A_391 = vector.extract_strided_slice %sub3A_354 {offsets = [0, 768], sizes = [256, 128], strides = [1, 1]} : vector<256x2048xf32> to vector<256x128xf32>
    %lt3A_392 = arith.cmpf olt, %slice3A_391, %select_n3A_387 : vector<256x128xf32>
    %select_n3A_393 = arith.select %lt3A_392, %slice3A_391, %select_n3A_387 : vector<256x128xi1>, vector<256x128xf32>
    %jit3A_394 = arith.constant 54 : i32
    %broadcast_in_dim3A_395 = vector.broadcast %jit3A_394 : i32 to vector<256x128xi32>
    %select_n3A_396 = arith.select %lt3A_392, %broadcast_in_dim3A_395, %select_n3A_390 : vector<256x128xi1>, vector<256x128xi32>
    %slice3A_397 = vector.extract_strided_slice %sub3A_354 {offsets = [0, 896], sizes = [256, 128], strides = [1, 1]} : vector<256x2048xf32> to vector<256x128xf32>
    %lt3A_398 = arith.cmpf olt, %slice3A_397, %select_n3A_393 : vector<256x128xf32>
    %select_n3A_399 = arith.select %lt3A_398, %slice3A_397, %select_n3A_393 : vector<256x128xi1>, vector<256x128xf32>
    %jit3A_400 = arith.constant 55 : i32
    %broadcast_in_dim3A_401 = vector.broadcast %jit3A_400 : i32 to vector<256x128xi32>
    %select_n3A_402 = arith.select %lt3A_398, %broadcast_in_dim3A_401, %select_n3A_396 : vector<256x128xi1>, vector<256x128xi32>
    %slice3A_403 = vector.extract_strided_slice %sub3A_354 {offsets = [0, 1024], sizes = [256, 128], strides = [1, 1]} : vector<256x2048xf32> to vector<256x128xf32>
    %lt3A_404 = arith.cmpf olt, %slice3A_403, %select_n3A_399 : vector<256x128xf32>
    %select_n3A_405 = arith.select %lt3A_404, %slice3A_403, %select_n3A_399 : vector<256x128xi1>, vector<256x128xf32>
    %jit3A_406 = arith.constant 56 : i32
    %broadcast_in_dim3A_407 = vector.broadcast %jit3A_406 : i32 to vector<256x128xi32>
    %select_n3A_408 = arith.select %lt3A_404, %broadcast_in_dim3A_407, %select_n3A_402 : vector<256x128xi1>, vector<256x128xi32>
    %slice3A_409 = vector.extract_strided_slice %sub3A_354 {offsets = [0, 1152], sizes = [256, 128], strides = [1, 1]} : vector<256x2048xf32> to vector<256x128xf32>
    %lt3A_410 = arith.cmpf olt, %slice3A_409, %select_n3A_405 : vector<256x128xf32>
    %select_n3A_411 = arith.select %lt3A_410, %slice3A_409, %select_n3A_405 : vector<256x128xi1>, vector<256x128xf32>
    %jit3A_412 = arith.constant 57 : i32
    %broadcast_in_dim3A_413 = vector.broadcast %jit3A_412 : i32 to vector<256x128xi32>
    %select_n3A_414 = arith.select %lt3A_410, %broadcast_in_dim3A_413, %select_n3A_408 : vector<256x128xi1>, vector<256x128xi32>
    %slice3A_415 = vector.extract_strided_slice %sub3A_354 {offsets = [0, 1280], sizes = [256, 128], strides = [1, 1]} : vector<256x2048xf32> to vector<256x128xf32>
    %lt3A_416 = arith.cmpf olt, %slice3A_415, %select_n3A_411 : vector<256x128xf32>
    %select_n3A_417 = arith.select %lt3A_416, %slice3A_415, %select_n3A_411 : vector<256x128xi1>, vector<256x128xf32>
    %jit3A_418 = arith.constant 58 : i32
    %broadcast_in_dim3A_419 = vector.broadcast %jit3A_418 : i32 to vector<256x128xi32>
    %select_n3A_420 = arith.select %lt3A_416, %broadcast_in_dim3A_419, %select_n3A_414 : vector<256x128xi1>, vector<256x128xi32>
    %slice3A_421 = vector.extract_strided_slice %sub3A_354 {offsets = [0, 1408], sizes = [256, 128], strides = [1, 1]} : vector<256x2048xf32> to vector<256x128xf32>
    %lt3A_422 = arith.cmpf olt, %slice3A_421, %select_n3A_417 : vector<256x128xf32>
    %select_n3A_423 = arith.select %lt3A_422, %slice3A_421, %select_n3A_417 : vector<256x128xi1>, vector<256x128xf32>
    %jit3A_424 = arith.constant 59 : i32
    %broadcast_in_dim3A_425 = vector.broadcast %jit3A_424 : i32 to vector<256x128xi32>
    %select_n3A_426 = arith.select %lt3A_422, %broadcast_in_dim3A_425, %select_n3A_420 : vector<256x128xi1>, vector<256x128xi32>
    %slice3A_427 = vector.extract_strided_slice %sub3A_354 {offsets = [0, 1536], sizes = [256, 128], strides = [1, 1]} : vector<256x2048xf32> to vector<256x128xf32>
    %lt3A_428 = arith.cmpf olt, %slice3A_427, %select_n3A_423 : vector<256x128xf32>
    %select_n3A_429 = arith.select %lt3A_428, %slice3A_427, %select_n3A_423 : vector<256x128xi1>, vector<256x128xf32>
    %jit3A_430 = arith.constant 60 : i32
    %broadcast_in_dim3A_431 = vector.broadcast %jit3A_430 : i32 to vector<256x128xi32>
    %select_n3A_432 = arith.select %lt3A_428, %broadcast_in_dim3A_431, %select_n3A_426 : vector<256x128xi1>, vector<256x128xi32>
    %slice3A_433 = vector.extract_strided_slice %sub3A_354 {offsets = [0, 1664], sizes = [256, 128], strides = [1, 1]} : vector<256x2048xf32> to vector<256x128xf32>
    %lt3A_434 = arith.cmpf olt, %slice3A_433, %select_n3A_429 : vector<256x128xf32>
    %select_n3A_435 = arith.select %lt3A_434, %slice3A_433, %select_n3A_429 : vector<256x128xi1>, vector<256x128xf32>
    %jit3A_436 = arith.constant 61 : i32
    %broadcast_in_dim3A_437 = vector.broadcast %jit3A_436 : i32 to vector<256x128xi32>
    %select_n3A_438 = arith.select %lt3A_434, %broadcast_in_dim3A_437, %select_n3A_432 : vector<256x128xi1>, vector<256x128xi32>
    %slice3A_439 = vector.extract_strided_slice %sub3A_354 {offsets = [0, 1792], sizes = [256, 128], strides = [1, 1]} : vector<256x2048xf32> to vector<256x128xf32>
    %lt3A_440 = arith.cmpf olt, %slice3A_439, %select_n3A_435 : vector<256x128xf32>
    %select_n3A_441 = arith.select %lt3A_440, %slice3A_439, %select_n3A_435 : vector<256x128xi1>, vector<256x128xf32>
    %jit3A_442 = arith.constant 62 : i32
    %broadcast_in_dim3A_443 = vector.broadcast %jit3A_442 : i32 to vector<256x128xi32>
    %select_n3A_444 = arith.select %lt3A_440, %broadcast_in_dim3A_443, %select_n3A_438 : vector<256x128xi1>, vector<256x128xi32>
    %slice3A_445 = vector.extract_strided_slice %sub3A_354 {offsets = [0, 1920], sizes = [256, 128], strides = [1, 1]} : vector<256x2048xf32> to vector<256x128xf32>
    %lt3A_446 = arith.cmpf olt, %slice3A_445, %select_n3A_441 : vector<256x128xf32>
    %select_n3A_447 = arith.select %lt3A_446, %slice3A_445, %select_n3A_441 : vector<256x128xi1>, vector<256x128xf32>
    %jit3A_448 = arith.constant 63 : i32
    %broadcast_in_dim3A_449 = vector.broadcast %jit3A_448 : i32 to vector<256x128xi32>
    %select_n3A_450 = arith.select %lt3A_446, %broadcast_in_dim3A_449, %select_n3A_444 : vector<256x128xi1>, vector<256x128xi32>
    %reduce_min3A = arith.constant dense<0x7F800000> : vector<256xf32>
    %reduce_min3A_451 = vector.multi_reduction <minimumf>, %select_n3A_447, %reduce_min3A [1] : vector<256x128xf32> to vector<256xf32>
    %broadcast_in_dim3A_452 = vector.shape_cast %reduce_min3A_451 : vector<256xf32> to vector<256x1xf32>
    %sqrt3A = math.sqrt %broadcast_in_dim3A_452 : vector<256x1xf32>
    %bitcast_convert_type3A = tpu.bitcast %broadcast_in_dim3A_452 : vector<256x1xf32> -> vector<256x1xi32>
    %add3A_453 = arith.constant 1 : i32
    %add3A_454 = vector.broadcast %add3A_453 : i32 to vector<256x1xi32>
    %add3A_455 = arith.addi %bitcast_convert_type3A, %add3A_454 : vector<256x1xi32>
    %bitcast_convert_type3A_456 = tpu.bitcast %add3A_455 : vector<256x1xi32> -> vector<256x1xf32>
    %sqrt3A_457 = math.sqrt %bitcast_convert_type3A_456 : vector<256x1xf32>
    %eq3A_458 = arith.cmpf oeq, %sqrt3A_457, %sqrt3A : vector<256x1xf32>
    %select_n3A_459 = arith.select %eq3A_458, %bitcast_convert_type3A_456, %broadcast_in_dim3A_452 : vector<256x1xi1>, vector<256x1xf32>
    %add3A_460 = arith.constant 2 : i32
    %add3A_461 = vector.broadcast %add3A_460 : i32 to vector<256x1xi32>
    %add3A_462 = arith.addi %bitcast_convert_type3A, %add3A_461 : vector<256x1xi32>
    %bitcast_convert_type3A_463 = tpu.bitcast %add3A_462 : vector<256x1xi32> -> vector<256x1xf32>
    %sqrt3A_464 = math.sqrt %bitcast_convert_type3A_463 : vector<256x1xf32>
    %eq3A_465 = arith.cmpf oeq, %sqrt3A_464, %sqrt3A : vector<256x1xf32>
    %select_n3A_466 = arith.select %eq3A_465, %bitcast_convert_type3A_463, %select_n3A_459 : vector<256x1xi1>, vector<256x1xf32>
    %add3A_467 = arith.constant 3 : i32
    %add3A_468 = vector.broadcast %add3A_467 : i32 to vector<256x1xi32>
    %add3A_469 = arith.addi %bitcast_convert_type3A, %add3A_468 : vector<256x1xi32>
    %bitcast_convert_type3A_470 = tpu.bitcast %add3A_469 : vector<256x1xi32> -> vector<256x1xf32>
    %sqrt3A_471 = math.sqrt %bitcast_convert_type3A_470 : vector<256x1xf32>
    %eq3A_472 = arith.cmpf oeq, %sqrt3A_471, %sqrt3A : vector<256x1xf32>
    %select_n3A_473 = arith.select %eq3A_472, %bitcast_convert_type3A_470, %select_n3A_466 : vector<256x1xi1>, vector<256x1xf32>
    %add3A_474 = arith.constant 4 : i32
    %add3A_475 = vector.broadcast %add3A_474 : i32 to vector<256x1xi32>
    %add3A_476 = arith.addi %bitcast_convert_type3A, %add3A_475 : vector<256x1xi32>
    %bitcast_convert_type3A_477 = tpu.bitcast %add3A_476 : vector<256x1xi32> -> vector<256x1xf32>
    %sqrt3A_478 = math.sqrt %bitcast_convert_type3A_477 : vector<256x1xf32>
    %eq3A_479 = arith.cmpf oeq, %sqrt3A_478, %sqrt3A : vector<256x1xf32>
    %select_n3A_480 = arith.select %eq3A_479, %bitcast_convert_type3A_477, %select_n3A_473 : vector<256x1xi1>, vector<256x1xf32>
    %add3A_481 = arith.constant 5 : i32
    %add3A_482 = vector.broadcast %add3A_481 : i32 to vector<256x1xi32>
    %add3A_483 = arith.addi %bitcast_convert_type3A, %add3A_482 : vector<256x1xi32>
    %bitcast_convert_type3A_484 = tpu.bitcast %add3A_483 : vector<256x1xi32> -> vector<256x1xf32>
    %sqrt3A_485 = math.sqrt %bitcast_convert_type3A_484 : vector<256x1xf32>
    %eq3A_486 = arith.cmpf oeq, %sqrt3A_485, %sqrt3A : vector<256x1xf32>
    %select_n3A_487 = arith.select %eq3A_486, %bitcast_convert_type3A_484, %select_n3A_480 : vector<256x1xi1>, vector<256x1xf32>
    %iota3A = tpu.iota {dimensions = array<i32: 1>} : vector<256x128xi32>
    %mul3A_488 = arith.constant 128 : i32
    %mul3A_489 = vector.broadcast %mul3A_488 : i32 to vector<256x128xi32>
    %mul3A_490 = arith.muli %select_n3A_450, %mul3A_489 : vector<256x128xi32>
    %add3A_491 = arith.addi %mul3A_490, %iota3A : vector<256x128xi32>
    %le3A = vector.broadcast %select_n3A_487 : vector<256x1xf32> to vector<256x128xf32>
    %le3A_492 = arith.cmpf ole, %select_n3A_447, %le3A : vector<256x128xf32>
    %jit3A_493 = arith.constant 1073741824 : i32
    %broadcast_in_dim3A_494 = vector.broadcast %jit3A_493 : i32 to vector<256x128xi32>
    %select_n3A_495 = arith.select %le3A_492, %add3A_491, %broadcast_in_dim3A_494 : vector<256x128xi1>, vector<256x128xi32>
    %reduce_min3A_496 = arith.constant dense<2147483647> : vector<256xi32>
    %reduce_min3A_497 = vector.multi_reduction <minsi>, %select_n3A_495, %reduce_min3A_496 [1] : vector<256x128xi32> to vector<256xi32>
    %broadcast_in_dim3A_498 = vector.shape_cast %reduce_min3A_497 : vector<256xi32> to vector<256x1xi32>
    %swap3A = arith.constant 0 : index
    %swap3A_499 = arith.constant 0 : index
    %swap3A_500 = vector.load %arg5[%swap3A, %swap3A_499] : memref<256x1xi32, #tpu.memory_space<vmem>>, vector<256x1xi32>
    tpu.vector_store %arg5[%swap3A, %swap3A_499], %broadcast_in_dim3A_498 {strides = array<i32>} : memref<256x1xi32, #tpu.memory_space<vmem>>, vector<256x1xi32>,
    return
  }
  func.func @transform_0(%arg0: i32) -> (i32, i32) {
    %c0_i32 = arith.constant 0 : i32
    %c0_i32_0 = arith.constant 0 : i32
    return %arg0, %c0_i32 : i32, i32
  }
  func.func @transform_1(%arg0: i32) -> (i32, i32) {
    %c0_i32 = arith.constant 0 : i32
    %c0_i32_0 = arith.constant 0 : i32
    %c0_i32_1 = arith.constant 0 : i32
    return %c0_i32, %c0_i32_0 : i32, i32
  }
  func.func @transform_2(%arg0: i32) -> (i32, i32) {
    %c0_i32 = arith.constant 0 : i32
    %c0_i32_0 = arith.constant 0 : i32
    %c0_i32_1 = arith.constant 0 : i32
    return %c0_i32, %c0_i32_0 : i32, i32
  }
  func.func @transform_3(%arg0: i32) -> (i32, i32) {
    %c0_i32 = arith.constant 0 : i32
    %c0_i32_0 = arith.constant 0 : i32
    %c0_i32_1 = arith.constant 0 : i32
    return %c0_i32, %c0_i32_0 : i32, i32
  }
  func.func @transform_4(%arg0: i32) -> (i32, i32) {
    %c0_i32 = arith.constant 0 : i32
    %c0_i32_0 = arith.constant 0 : i32
    return %arg0, %c0_i32 : i32, i32
  }
  func.func @transform_5(%arg0: i32) -> (i32, i32) {
    %min3A = arith.constant 15 : i32
    %min3A_0 = arith.minsi %arg0, %min3A : i32
    %c0_i32 = arith.constant 0 : i32
    %c0_i32_1 = arith.constant 0 : i32
    return %min3A_0, %c0_i32 : i32, i32
  }
}

</mosaic_0001>

<sc_bundles>
// kernel: kernel.4.cloned.1.call-start
scs
__scs_entry_jumppad:
0x0: {  	(pc) =	sbr.rel $0x88, $3  }
0x1: {  	(tag) =	ssettag $0x0;
	lr =	simm.s32 $0x1  }
0x2: {  	[smem:$0x3F9D] =	sst lr;
	_ =	strace $0xD0000000  }
0x3: {  	_ = 	snop  }
0x4: {  	_ = 	snop  }
0x5: {  	_ = 	snop  }
0x6: {  	_ = 	snop  }
0x7: {  	_ = 	snop  }
__scs_overlays_trampoline_lowered:
0x8: {  	[smem:$0x3FAC] =	sst s0  }
0x9: {  	[smem:$0x3FAD] =	sst s1  }
0xa: {  	[smem:$0x3FAE] =	sst s2  }
0xb: {  	[smem:$0x3FAF] =	sst s3  }
0xc: {  	[smem:$0x3FB0] =	sst s4  }
0xd: {  	[smem:$0x3FB1] =	sst s5  }
0xe: {  	[smem:$0x3FB2] =	sst s6  }
0xf: {  	[smem:$0x3FB3] =	sst s7  }
0x10: {  	[smem:$0x3FB4] =	sst s8  }
0x11: {  	[smem:$0x3FB5] =	sst s9;
	s0 =	simm.s32 @!p0 $0x0  }
0x12: {  	s1 =	sld [smem:$0x3F9B];
	s0 =	simm.s32 @p0 $0x1  }
0x13: {  	[smem:$0x3FB6] =	sst s0;
	s0 =	simm.s32 @!p1 $0x0  }
0x14: {  	s2 =	sld [smem:$0x3F9A];
	s0 =	simm.s32 @p1 $0x1  }
0x15: {  	[smem:$0x3FB7] =	sst s0;
	s0 =	simm.s32 @!p2 $0x0  }
0x16: {  	s3 =	sld [smem:$0x3FDB];
	s0 =	simm.s32 @p2 $0x1  }
0x17: {  	s4 =	simm.s32 $0x1BF5;
	[smem:$0x3FB9] =	sst s0  }
0x18: {  	s0 =	sld [smem:$0x3F9C];
	_ =	swait.ge [sflag:s4], $0x0  }
0x19: {  	s7 =	sld [smem:$0x3F9D]  }
0x1a: {  	s8 =	sadd.s32 $0xFFFFE003, lr  }
0x1b: {  	s9 =	sadd.s32 $0xFFFFFEF7, lr;
	s5 =	simm.s32 $0xFFFFFFFF;
	p2 =	slt.u32 s8, $0xFFFFF086  }
0x1c: {  	p1 =	slt.u32 s9, $0xF7A;
	s5 =	simm.s32 @!p2 $0x0  }
0x1d: {  	s5 =	simm.s32 @p1 $0x1;
	p0 =	seq.s32 s7, s2  }
0x1e: {  	s7 =	smul.u32 @!p0 $0xF7A, s2;
	p2 =	seq.s32 @!p0 s5, $0x0  }
0x1f: {  	s9 =	smul.u32 $0xF7A, s1;
	s8 =	simm.s32 @!p0 $0x1BF5;
	p2 =	por !p2, p0  }
0x20: {  	[sflag:s8] =	ssyncset.s32 @!p0 $0xFFFFF086;
	s6 =	sadd.s32 @!p0 s3, s7;
	s7 =	simm.s32 @!p0 $0x108  }
0x21: {  	s3 =	sadd.s32 s3, s9;
	s6 =	sadd.s32 @!p0 $0x88, s6;
	s7 =	simm.s32 @p2 $0x1082  }
0x22: {  	[simem:s7], [sflag:s8] =	dma.local @!p0 [hbm:s6], $0xF7A  }
0x23: {  	s9 =	sor.u32 $0xD0000000, s2;
	s6 =	simm.s32 $0x108;
	_ =	swait.ge @!p0 [sflag:s8], $0x0  }
0x24: {  	s3 =	sadd.s32 $0x88, s3;
	s6 =	simm.s32 @!p1 $0x1082;
	[sflag:s4] =	ssyncset.s32 $0xFFFFF086  }
0x25: {  	[simem:s6], [sflag:s4] =	dma.local [hbm:s3], $0xF7A  }
0x26: {  	[smem:$0x3F9D] =	sst s1;
	(tag) =	ssettag s2;
	_ =	strace s9  }
0x27: {  	s1 =	sld [smem:$0x3FAD]  }
0x28: {  	s2 =	sld [smem:$0x3FAE]  }
0x29: {  	s4 =	sld [smem:$0x3FB0]  }
0x2a: {  	p0 =	seq.s32 s5, $0x0;
	s5 =	sld [smem:$0x3FB1]  }
0x2b: {  	s6 =	sld [smem:$0x3FB2]  }
0x2c: {  	s7 =	sld [smem:$0x3FB3]  }
0x2d: {  	s3 =	simm.s32 $0x108;
	s8 =	sld [smem:$0x3FB4]  }
0x2e: {  	s3 =	simm.s32 @!p0 $0x1082;
	s9 =	sld [smem:$0x3FB5]  }
0x2f: {  	lr =	sadd.s32 s0, s3;
	s0 =	sld [smem:$0x3FAC]  }
0x30: {  	s3 =	sld [smem:$0x3FAF]  }
0x31: {  	[smem:$0x3FB8] =	sst s10  }
0x32: {  	s10 =	sld [smem:$0x3FB6];
	_ =	sdelay $0x3  }
0x33: {  	p0 =	seq.s32 s10, $0x1;
	s10 =	sld [smem:$0x3FB8];
	_ =	sdelay $0x3  }
0x34: {  	[smem:$0x3FB8] =	sst s10  }
0x35: {  	s10 =	sld [smem:$0x3FB7];
	_ =	sdelay $0x3  }
0x36: {  	p1 =	seq.s32 s10, $0x1;
	s10 =	sld [smem:$0x3FB8];
	_ =	sdelay $0x3  }
0x37: {  	[smem:$0x3FB8] =	sst s10  }
0x38: {  	s10 =	sld [smem:$0x3FB9]  }
0x39: {  	_ = 	snop;
	(pc) =	sbr.ind lr, $3  }
0x3a: {  	_ = 	snop  }
0x3b: {  	_ = 	snop  }
0x3c: {  	p2 =	seq.s32 s10, $0x1;
	s10 =	sld [smem:$0x3FB8]  }
0x3d: {  	_ =	shalt  }
0x3e: {  	_ =	shalt  }
0x3f: {  	_ =	shalt  }
0x40: {  	_ =	shalt  }
0x41: {  	_ =	shalt  }
0x42: {  	_ =	shalt  }
0x43: {  	_ =	shalt  }
0x44: {  	_ =	shalt  }
0x45: {  	_ =	shalt  }
0x46: {  	_ =	shalt  }
0x47: {  	_ =	shalt  }
0x48: {  	_ =	shalt  }
0x49: {  	_ =	shalt  }
0x4a: {  	_ =	shalt  }
0x4b: {  	_ =	shalt  }
0x4c: {  	_ =	shalt  }
0x4d: {  	_ =	shalt  }
0x4e: {  	_ =	shalt  }
0x4f: {  	_ =	shalt  }
0x50: {  	_ =	shalt  }
0x51: {  	_ =	shalt  }
0x52: {  	_ =	shalt  }
0x53: {  	_ =	shalt  }
0x54: {  	_ =	shalt  }
0x55: {  	_ =	shalt  }
0x56: {  	_ =	shalt  }
0x57: {  	_ =	shalt  }
0x58: {  	_ =	shalt  }
0x59: {  	_ =	shalt  }
0x5a: {  	_ =	shalt  }
0x5b: {  	_ =	shalt  }
0x5c: {  	_ =	shalt  }
0x5d: {  	_ =	shalt  }
0x5e: {  	_ =	shalt  }
0x5f: {  	_ =	shalt  }
0x60: {  	_ =	shalt  }
0x61: {  	_ =	shalt  }
0x62: {  	_ =	shalt  }
0x63: {  	_ =	shalt  }
0x64: {  	_ =	shalt  }
0x65: {  	_ =	shalt  }
0x66: {  	_ =	shalt  }
0x67: {  	_ =	shalt  }
0x68: {  	_ =	shalt  }
0x69: {  	_ =	shalt  }
0x6a: {  	_ =	shalt  }
0x6b: {  	_ =	shalt  }
0x6c: {  	_ =	shalt  }
0x6d: {  	_ =	shalt  }
0x6e: {  	_ =	shalt  }
0x6f: {  	_ =	shalt  }
0x70: {  	_ =	shalt  }
0x71: {  	_ =	shalt  }
0x72: {  	_ =	shalt  }
0x73: {  	_ =	shalt  }
0x74: {  	_ =	shalt  }
0x75: {  	_ =	shalt  }
0x76: {  	_ =	shalt  }
0x77: {  	_ =	shalt  }
0x78: {  	_ =	shalt  }
0x79: {  	_ =	shalt  }
0x7a: {  	_ =	shalt  }
0x7b: {  	_ =	shalt  }
0x7c: {  	_ =	shalt  }
0x7d: {  	_ =	shalt  }
0x7e: {  	_ =	shalt  }
0x7f: {  	_ =	shalt  }
0x80: {  	_ =	shalt  }
0x81: {  	_ =	shalt  }
0x82: {  	_ =	shalt  }
0x83: {  	_ =	shalt  }
0x84: {  	_ =	shalt  }
0x85: {  	_ =	shalt  }
0x86: {  	_ =	shalt  }
0x87: {  	_ =	shalt  }
.Lfunc_end0:
.L_simem_size_0:
called_computation_lowered:
.L_overlay_start_0:
0x88: {  	s2 =	sld [smem:$0x3FD9]  }
0x89: {  	s3 =	sld [smem:$0x3FFE];
	_ =	sdelay $0x1  }
0x8a: {  	s1 =	srdreg.scid  }
0x8b: {  	s0 =	sand.u32 $0x1, s1  }
0x8c: {  	s17 =	sshll.u32 s0, $0xA;
	s2 =	sadd.s32 s3, s2  }
0x8d: {  	s2 =	sadd.s32 s2, s17  }
0x8e: {  	[smem:$0x3FC4] =	sst s2  }
0x8f: {  	_ = 	snop  }
0x90: {  	s2 =	sld [smem:$0x3FD0];
	(tm) =	ssettm $0x1  }
0x91: {  	s18 =	sld [smem:$0x3FFB];
	_ =	sdelay $0x3  }
0x92: {  	_ =	strace s18  }
0x93: {  	s3 =	sld [smem:$0x3FFC];
	_ =	sdelay $0x3  }
0x94: {  	_ =	strace s3  }
0x95: {  	s3 =	sld [smem:$0x3FFD];
	_ =	sdelay $0x3  }
0x96: {  	_ =	strace s3  }
0x97: {  	_ =	strace $0x8FFFFFFF  }
0x98: {  	s19 =	sld [smem:$0x3FDB];
	_ =	sdelay $0x1  }
0x99: {  	s4 =	simm.s32 $_scs_section_size  }
0x9a: {  	s5 =	simm.s32 $_size__tile_overlayer_lowered;
	s6 =	simm.s32 $_tile_overlayer_lowered  }
0x9b: {  	s22 =	simm.s32 $0x1BFF;
	s21 =	sshll.u32 s6, $0x1;
	s3 =	sadd.s32 s4, s19  }
0x9c: {  	s7 =	simm.s32 $0x0;
	s20 =	sshll.u32 s5, $0x1;
	s5 =	sadd.s32 s21, s3  }
0x9d: {  	[timem:s7], [sflag:s22] =	dma.local [hbm:s5], s20  }
0x9e: {  	_ =	swait.ge [sflag:s22], s20  }
0x9f: {  	s4 =	ssub.s32 $0x0, s20;
	[sflag:s22] =	ssyncset.done $0x0  }
0xa0: {  	[sflag:s22] =	ssyncadd.s32 s4;
	_ =	sdelay $0x1  }
0xa1: {  	s23 =	simm.s32 $0x1B8B  }
0xa2: {  	_ =	swait.ge [sflag:s23], $0x1  }
0xa3: {  	[sflag:s23] =	ssyncset.done $0x0  }
0xa4: {  	s25 =	simm.s32 $0x1B8E;
	s24 =	sld [smem:$0x3FFE];
	[sflag:s23] =	ssyncadd.s32 $0xFFFFFFFF  }
0xa5: {  	s26 =	simm.s32 $execute0_lowered;
	[smem:$0x3FD2] =	sst s25  }
0xa6: {  	s5 =	sshll.u32 s26, $0x1;
	_ =	strace $0x80000046;
	[dreg:$0x1] =	wrdreg $0xFFFFFFFF  }
0xa7: {  	s28 =	simm.s32 $_size_execute0_lowered;
	s3 =	sadd.s32 s3, s5;
	[dreg:$0x0] =	wrdreg $0x0  }
0xa8: {  	s5 =	sshll.u32 s28, $0x1;
	[dreg:$0x2] =	wrdreg s3  }
0xa9: {  	[dreg:$0x3] =	wrdreg s5  }
0xaa: {  	[dreg:$0x4] =	wrdreg $0xC0  }
0xab: {  	_ =	task [dreg:s7], $0x5FFFF  }
0xac: {  	[dreg:$0x1] =	wrdreg $0xFFFFFFFF  }
0xad: {  	[dreg:$0x0] =	wrdreg $0x60  }
0xae: {  	[dreg:$0x2] =	wrdreg s24  }
0xaf: {  	[dreg:$0x3] =	wrdreg s2  }
0xb0: {  	[dreg:$0x4] =	wrdreg $0x9  }
0xb1: {  	_ =	task.clear_ibuf [dreg:s7], $0x5FFFF;
	_ =	strace $0x90000046  }
0xb2: {  	s29 =	simm.s32 $0x9;
	_ =	strace $0x80000048  }
0xb3: {  	_ =	swait.ge [sflag:s29], $0x1  }
0xb4: {  	[sflag:s29] =	ssyncadd.s32 $0xFFFFFFFF  }
0xb5: {  	_ =	strace $0x90000048  }
0xb6: {  	_ =	sfence  }
0xb7: {  	s30 =	sld [smem:$0x0];
	_ =	sdelay $0x2  }
0xb8: {  	s31 =	sshll.u32 s1, $0xD;
	s1 =	sshrl.u32 s1, $0x2  }
0xb9: {  	s3 =	sand.u32 $0x4000, s31;
	s1 =	sadd.s32 s1, s30  }
0xba: {  	s0 =	sor.u32 s3, s0;
	s1 =	sshll.u32 s1, $0x11  }
0xbb: {  	s0 =	sor.u32 s1, s0  }
0xbc: {  	s0 =	sadd.s32 $0x8F2B, s0  }
0xbd: {  	[sflag:s0] =	ssyncadd.remote.s32 $0x1  }
0xbe: {  	_ =	sfence.sel $0xFFFF  }
0xbf: {  	[dreg:$0x0] =	wrdreg $0xFFFFFFFF;
	(pc) =	sbr.abs _section_cstart, $3  }
0xc0: {  	[dreg:$0x1] =	wrdreg $0xFFFFFFFF  }
0xc1: {  	_ =	task.clear_ibuf [dreg:s7], $0x2FFFF;
	_ =	strace $0x9FFFFFFF  }
0xc2: {  	(tm) =	ssettm $0x7FFFFFFF  }
0xc3: {  	_ =	shalt  }
tec
execute0_lowered:
.L_overlay_start_1:
0x0: {  	(tag) =	ssettag $0x1  }
0x1: {  	s4 =	rddreg [dreg:$0x0];
	s1 =	srdreg.scid  }
0x2: {  	s0 =	stileid.u32;
	s5 =	rddreg [dreg:$0x1];
	s2 =	simm.s32 $0x0  }
0x3: {  	s9 =	simm.s32 $0x900;
	s10 =	simm.s32 $0x1100;
	s11 =	simm.s32 $0x1900  }
0x4: {  	s12 =	simm.s32 $0x2100;
	s13 =	simm.s32 $0x2900;
	s14 =	simm.s32 $0x3100  }
0x5: {  	s15 =	simm.s32 $0x3900;
	s16 =	simm.s32 $0x4100;
	s17 =	simm.s32 $0x4900  }
0x6: {  	s18 =	simm.s32 $0x5100;
	s19 =	simm.s32 $0x5900;
	s20 =	simm.s32 $0x6100  }
0x7: {  	s21 =	simm.s32 $0x6900;
	s22 =	simm.s32 $0x7100;
	s23 =	simm.s32 $0x7900  }
0x8: {  	s24 =	simm.s32 $0x8100;
	s3 =	sand.u32 $0x1, s1;
	s6 =	sshll.u32 s0, $0x1  }
0x9: {  	s25 =	simm.s32 $0x8900;
	s1 =	rddreg [dreg:$0x2];
	s6 =	sor.u32 s3, s6  }
0xa: {  	s26 =	simm.s32 $0x1;
	[smem:$0x7FF] =	sst s2;
	s7 =	smul.u32 $0x12, s6  }
0xb: {  	_ =	strace $0x80000047;
	s8 =	ssub.s32 $0x2, s3;
	s6 =	smul.u32 $0x1200, s6  }
0xc: {  	v2 =	vlaneseq.u32;
	s3 =	sadd.s32 $0xA00, s4;
	s31 =	sshrl.u32 s8, $0x1;
	s4 =	sadd.s32 s7, s4  }
0xd: {  	vm0 =	vmmov $0xffff;
	v1 =	vshrl.u32 v2, $0x3;
	s7 =	ssub.s32 s8, s31;
	s5 =	sadd.s32 s5, s6;
	s8 =	simm.s32 $0x100  }
0xe: {  	v0 =	vand.u32 $0x7, v2;
	v2 =	vor.u32 $0x8, v2;
	v1 =	vmul.u32 $0x8, v1;
	s4 =	sadd.s32 $0x40A00, s4;
	s6 =	smax.u32 s7, $0x1;
	s7 =	simm.s32 $0x2  }
.LBB2_1:
0xf: {  	[tilespmem:s2], [sflag:$0x2] =	stream.linear.gather [hbm4b:s4+s2], $0x90, $0x38;
	[tilespmem:$0x9100] =	vst v63  }
0x10: {  	_ =	swait.ge [sflag:s7], $0x90  }
0x11: {  	[sflag:s7] =	ssyncset.done $0x0  }
0x12: {  	[sflag:s7] =	ssyncadd.s32 $0xFFFFFF70  }
0x13: {  	v3 =	vld [tilespmem:$0x0];
	_ =	sdelay $0x4  }
0x14: {  	v4 =	vshll.u32 v3, $0x1  }
0x15: {  	v3 =	vand.u32 $0x7, v3;
	v4 =	vand.u32 $0xFFFFFFF0, v4  }
0x16: {  	v3 =	vor.u32 v3, v4  }
0x17: {  	v4 =	vperm.xlane v3, v0;
	_ =	sdelay $0x1  }
0x18: {  	v3 =	vperm.xlane v3, v2;
	v4 =	vadd.s32 v1, v4;
	_ =	sdelay $0x1  }
0x19: {  	v3 =	vadd.s32 v1, v3;
	_ =	sdelay $0x2  }
0x1a: {  	[tilespmem:s8], [sflag:$0x1] =	stream.indirect_vreg.gather [hbm4b:s3+s2], $0x80, v4, vm0, $0xb8;
	[tilespmem:$0x9100] =	vst v63  }
0x1b: {  	_ = 	snop  }
0x1c: {  	[tilespmem:s9], [sflag:$0x1] =	stream.indirect_vreg.gather [hbm4b:s3+s2], $0x80, v3, vm0, $0xb8;
	[tilespmem:$0x9100] =	vst v63  }
0x1d: {  	v3 =	vld [tilespmem:$0x10];
	_ =	sdelay $0x4  }
0x1e: {  	v56 =	vshll.u32 v3, $0x1  }
0x1f: {  	v3 =	vand.u32 $0x7, v3;
	v4 =	vand.u32 $0xFFFFFFF0, v56  }
0x20: {  	v3 =	vor.u32 v3, v4  }
0x21: {  	v4 =	vperm.xlane v3, v0;
	_ =	sdelay $0x1  }
0x22: {  	v3 =	vperm.xlane v3, v2;
	v4 =	vadd.s32 v1, v4;
	_ =	sdelay $0x1  }
0x23: {  	v3 =	vadd.s32 v1, v3;
	_ =	sdelay $0x2  }
0x24: {  	[tilespmem:s10], [sflag:$0x1] =	stream.indirect_vreg.gather [hbm4b:s3+s2], $0x80, v4, vm0, $0xb8;
	[tilespmem:$0x9100] =	vst v63  }
0x25: {  	_ = 	snop  }
0x26: {  	[tilespmem:s11], [sflag:$0x1] =	stream.indirect_vreg.gather [hbm4b:s3+s2], $0x80, v3, vm0, $0xb8;
	[tilespmem:$0x9100] =	vst v63  }
0x27: {  	v3 =	vld [tilespmem:$0x20];
	_ =	sdelay $0x4  }
0x28: {  	v57 =	vshll.u32 v3, $0x1  }
0x29: {  	v3 =	vand.u32 $0x7, v3;
	v4 =	vand.u32 $0xFFFFFFF0, v57  }
0x2a: {  	v3 =	vor.u32 v3, v4  }
0x2b: {  	v4 =	vperm.xlane v3, v0;
	_ =	sdelay $0x1  }
0x2c: {  	v3 =	vperm.xlane v3, v2;
	v4 =	vadd.s32 v1, v4;
	_ =	sdelay $0x1  }
0x2d: {  	v3 =	vadd.s32 v1, v3;
	_ =	sdelay $0x2  }
0x2e: {  	[tilespmem:s12], [sflag:$0x1] =	stream.indirect_vreg.gather [hbm4b:s3+s2], $0x80, v4, vm0, $0xb8;
	[tilespmem:$0x9100] =	vst v63  }
0x2f: {  	_ = 	snop  }
0x30: {  	[tilespmem:s13], [sflag:$0x1] =	stream.indirect_vreg.gather [hbm4b:s3+s2], $0x80, v3, vm0, $0xb8;
	[tilespmem:$0x9100] =	vst v63  }
0x31: {  	v3 =	vld [tilespmem:$0x30];
	_ =	sdelay $0x4  }
0x32: {  	v58 =	vshll.u32 v3, $0x1  }
0x33: {  	v3 =	vand.u32 $0x7, v3;
	v4 =	vand.u32 $0xFFFFFFF0, v58  }
0x34: {  	v3 =	vor.u32 v3, v4  }
0x35: {  	v4 =	vperm.xlane v3, v0;
	_ =	sdelay $0x1  }
0x36: {  	v3 =	vperm.xlane v3, v2;
	v4 =	vadd.s32 v1, v4;
	_ =	sdelay $0x1  }
0x37: {  	v3 =	vadd.s32 v1, v3;
	_ =	sdelay $0x2  }
0x38: {  	[tilespmem:s14], [sflag:$0x1] =	stream.indirect_vreg.gather [hbm4b:s3+s2], $0x80, v4, vm0, $0xb8;
	[tilespmem:$0x9100] =	vst v63  }
0x39: {  	_ = 	snop  }
0x3a: {  	[tilespmem:s15], [sflag:$0x1] =	stream.indirect_vreg.gather [hbm4b:s3+s2], $0x80, v3, vm0, $0xb8;
	[tilespmem:$0x9100] =	vst v63  }
0x3b: {  	v3 =	vld [tilespmem:$0x40];
	_ =	sdelay $0x4  }
0x3c: {  	v59 =	vshll.u32 v3, $0x1  }
0x3d: {  	v3 =	vand.u32 $0x7, v3;
	v4 =	vand.u32 $0xFFFFFFF0, v59  }
0x3e: {  	v3 =	vor.u32 v3, v4  }
0x3f: {  	v4 =	vperm.xlane v3, v0;
	_ =	sdelay $0x1  }
0x40: {  	v3 =	vperm.xlane v3, v2;
	v4 =	vadd.s32 v1, v4;
	_ =	sdelay $0x1  }
0x41: {  	v3 =	vadd.s32 v1, v3;
	_ =	sdelay $0x2  }
0x42: {  	[tilespmem:s16], [sflag:$0x1] =	stream.indirect_vreg.gather [hbm4b:s3+s2], $0x80, v4, vm0, $0xb8;
	[tilespmem:$0x9100] =	vst v63  }
0x43: {  	_ = 	snop  }
0x44: {  	[tilespmem:s17], [sflag:$0x1] =	stream.indirect_vreg.gather [hbm4b:s3+s2], $0x80, v3, vm0, $0xb8;
	[tilespmem:$0x9100] =	vst v63  }
0x45: {  	v3 =	vld [tilespmem:$0x50];
	_ =	sdelay $0x4  }
0x46: {  	v60 =	vshll.u32 v3, $0x1  }
0x47: {  	v3 =	vand.u32 $0x7, v3;
	v4 =	vand.u32 $0xFFFFFFF0, v60  }
0x48: {  	v3 =	vor.u32 v3, v4  }
0x49: {  	v4 =	vperm.xlane v3, v0;
	_ =	sdelay $0x1  }
0x4a: {  	v3 =	vperm.xlane v3, v2;
	v4 =	vadd.s32 v1, v4;
	_ =	sdelay $0x1  }
0x4b: {  	v3 =	vadd.s32 v1, v3;
	_ =	sdelay $0x2  }
0x4c: {  	[tilespmem:s18], [sflag:$0x1] =	stream.indirect_vreg.gather [hbm4b:s3+s2], $0x80, v4, vm0, $0xb8;
	[tilespmem:$0x9100] =	vst v63  }
0x4d: {  	_ = 	snop  }
0x4e: {  	[tilespmem:s19], [sflag:$0x1] =	stream.indirect_vreg.gather [hbm4b:s3+s2], $0x80, v3, vm0, $0xb8;
	[tilespmem:$0x9100] =	vst v63  }
0x4f: {  	v3 =	vld [tilespmem:$0x60];
	_ =	sdelay $0x4  }
0x50: {  	v61 =	vshll.u32 v3, $0x1  }
0x51: {  	v3 =	vand.u32 $0x7, v3;
	v4 =	vand.u32 $0xFFFFFFF0, v61  }
0x52: {  	v3 =	vor.u32 v3, v4  }
0x53: {  	v4 =	vperm.xlane v3, v0;
	_ =	sdelay $0x1  }
0x54: {  	v3 =	vperm.xlane v3, v2;
	v4 =	vadd.s32 v1, v4;
	_ =	sdelay $0x1  }
0x55: {  	v3 =	vadd.s32 v1, v3;
	_ =	sdelay $0x2  }
0x56: {  	[tilespmem:s20], [sflag:$0x1] =	stream.indirect_vreg.gather [hbm4b:s3+s2], $0x80, v4, vm0, $0xb8;
	[tilespmem:$0x9100] =	vst v63  }
0x57: {  	_ = 	snop  }
0x58: {  	[tilespmem:s21], [sflag:$0x1] =	stream.indirect_vreg.gather [hbm4b:s3+s2], $0x80, v3, vm0, $0xb8;
	[tilespmem:$0x9100] =	vst v63  }
0x59: {  	v3 =	vld [tilespmem:$0x70];
	_ =	sdelay $0x4  }
0x5a: {  	v62 =	vshll.u32 v3, $0x1  }
0x5b: {  	v3 =	vand.u32 $0x7, v3;
	v4 =	vand.u32 $0xFFFFFFF0, v62  }
0x5c: {  	v3 =	vor.u32 v3, v4  }
0x5d: {  	v4 =	vperm.xlane v3, v0;
	_ =	sdelay $0x1  }
0x5e: {  	v3 =	vperm.xlane v3, v2;
	v4 =	vadd.s32 v1, v4;
	_ =	sdelay $0x1  }
0x5f: {  	v3 =	vadd.s32 v1, v3;
	_ =	sdelay $0x2  }
0x60: {  	[tilespmem:s22], [sflag:$0x1] =	stream.indirect_vreg.gather [hbm4b:s3+s2], $0x80, v4, vm0, $0xb8;
	[tilespmem:$0x9100] =	vst v63  }
0x61: {  	_ = 	snop  }
0x62: {  	[tilespmem:s23], [sflag:$0x1] =	stream.indirect_vreg.gather [hbm4b:s3+s2], $0x80, v3, vm0, $0xb8;
	[tilespmem:$0x9100] =	vst v63  }
0x63: {  	v3 =	vld [tilespmem:$0x80];
	_ =	sdelay $0x4  }
0x64: {  	v63 =	vshll.u32 v3, $0x1  }
0x65: {  	v3 =	vand.u32 $0x7, v3;
	v4 =	vand.u32 $0xFFFFFFF0, v63  }
0x66: {  	v3 =	vor.u32 v3, v4  }
0x67: {  	v4 =	vperm.xlane v3, v0;
	_ =	sdelay $0x1  }
0x68: {  	v3 =	vperm.xlane v3, v2;
	v4 =	vadd.s32 v1, v4;
	_ =	sdelay $0x1  }
0x69: {  	v3 =	vadd.s32 v1, v3;
	_ =	sdelay $0x2  }
0x6a: {  	[tilespmem:s24], [sflag:$0x1] =	stream.indirect_vreg.gather [hbm4b:s3+s2], $0x80, v4, vm0, $0xb8;
	[tilespmem:$0x9100] =	vst v63  }
0x6b: {  	_ = 	snop  }
0x6c: {  	[tilespmem:s25], [sflag:$0x1] =	stream.indirect_vreg.gather [hbm4b:s3+s2], $0x80, v3, vm0, $0xb8;
	[tilespmem:$0x9100] =	vst v63  }
0x6d: {  	_ =	swait.ge [sflag:s26], $0x9000  }
0x6e: {  	p0 =	sne.s32 s6, $0x1;
	[sflag:s26] =	ssyncset.done $0x0  }
.Ltmp0:
0x6f: {  	[sflag:s26] =	ssyncadd.s32 $0xFFFF7000;
	(pc) =	sbr.rel @p0 .LBB2_1-.Ltmp0, $4  }
0x70: {  	[hbm4b:s5+s2] =	stream.linear.scatter [tilespmem:s8], [sflag:$0x2], $0x9000, $0x38;
	[tilespmem:$0x9100] =	vst v63  }
0x71: {  	_ =	swait.ge [sflag:s7], $0x9000  }
0x72: {  	[sflag:s7] =	ssyncset.done $0x0  }
0x73: {  	s6 =	sadd.s32 $0xFFFFFFFF, s6;
	[sflag:s7] =	ssyncadd.s32 $0xFFFF7000  }
0x74: {  	_ =	sfence.sel $0x180000  }
0x75: {  	[bflag:$0x0] =	sbarrier.arrive $0xFFFF  }
0x76: {  	p0 =	sne.s32 s0, $0x0;
	_ =	strace $0x90000047  }
0x77: {  	s0 =	sadd.s32 @!p0 $0x100000, s1;
	[bflag:$0x2] =	sbarrier.arrive $0xFFFF  }
0x78: {  	[sflag:s0] =	ssyncadd.tile.s32 @!p0 $0x1;
	_ =	shalt  }
.Lfunc_end2:
_tile_overlayer_lowered:
.L_overlay_start_2:
0x79: {  	(tag) =	ssettag $0x2  }
0x7a: {  	s0 =	rddreg [dreg:$0x0];
	s2 =	stileid.u32  }
0x7b: {  	s1 =	rddreg [dreg:$0x1];
	p0 =	sne.s32 s2, $0x0  }
0x7c: {  	s3 =	rddreg [dreg:$0x2];
	[bflag:$0x3] =	sbarrier.arrive $0xFFFF;
	s2 =	simm.s32 @!p0 $0x1C02  }
0x7d: {  	[timem:s3], [sflag:s2] =	dma.local @!p0 [hbm:s0], s1  }
0x7e: {  	s0 =	simm.s32 @!p0 $0x2  }
0x7f: {  	_ =	swait.ge @!p0 [sflag:s0], s1  }
0x80: {  	s1 =	ssub.s32 @!p0 $0x0, s1;
	[sflag:s0] =	ssyncset.done @!p0 $0x0  }
0x81: {  	[sflag:s0] =	ssyncadd.s32 @!p0 s1  }
0x82: {  	[bflag:$0x3] =	sbarrier.arrive $0xFFFF  }
0x83: {  	_ =	shalt  }

</sc_bundles>
